<compile_context>
chip_gen: v7x
topology: tpu7x:2x2x1
jax: 0.10.2.dev20260603
libtpu: 0.0.44.dev20260713+nightly
codegen_flags: <defaults>
</compile_context>

<pallas_src>
import functools

import jax
import jax.numpy as jnp
from jax import lax
from jax.experimental import pallas as pl
from jax.experimental.pallas import tpu as pltpu
from jax.experimental.pallas import tpu_sc as plsc

_VSIZE = 100000
_NCLASS = 2
_ALPHA = 1.0
_SEQ = 200
_BATCH = 4096

_NW = 32
_BC = _BATCH // _NW


_VBLK = 51200
_NVBLK = 2


def _logtab_body(c_ref, xy_ref, o_ref):
    x = xy_ref[...]
    row1 = lax.broadcasted_iota(jnp.int32, (_NCLASS, 1), 0)
    ylog = jnp.log(jnp.where(row1 == 0, c_ref[0], c_ref[1]) + _VSIZE * _ALPHA)
    s = jnp.log(x + _ALPHA) - ylog
    b = lax.bitcast_convert_type(s, jnp.int32)
    rb = b + jnp.int32(0x7FFF) + ((b >> 16) & jnp.int32(1))
    bits = (rb >> 16) & jnp.int32(0xFFFF)
    packed = bits[0:1, :] | (bits[1:2, :] << 16)
    o_ref[...] = packed.reshape(_VBLK)


_XCH = 40
_NXCH = _SEQ // _XCH


def _sc_body(tab_hbm, x_hbm, out0_hbm, out1_hbm, tab_v, x_v, res_v, spm,
             sem_t, sem_a, sem_b):
    c = lax.axis_index("c")
    s = lax.axis_index("s")
    wid = s * 2 + c
    b0 = wid * _BC

    sems = (sem_a, sem_b)
    handles = {0: pltpu.async_copy(
        x_hbm.at[pl.ds(0, _XCH), pl.ds(b0, _BC)], x_v.at[0], sem_a)}

    @pl.when(s == 0)
    def _():
        pltpu.async_copy(tab_hbm, spm, sem_t).wait()

    plsc.subcore_barrier()
    pltpu.async_copy(spm, tab_v, sem_t).wait()

    zero = jnp.zeros((16,), jnp.float32)
    accs = (zero,) * (2 * (_BC // 16))

    for g in range(_NXCH):
        if g + 1 < _NXCH:
            handles[(g + 1) % 2] = pltpu.async_copy(
                x_hbm.at[pl.ds((g + 1) * _XCH, _XCH), pl.ds(b0, _BC)],
                x_v.at[(g + 1) % 2], sems[(g + 1) % 2])
        handles[g % 2].wait()
        par = g % 2

        def step(t, accs, par=par):
            nxt = []
            for j in range(_BC // 16):
                idx = x_v[par, t, pl.ds(j * 16, 16)]
                v = plsc.load_gather(tab_v, [idx])
                f0 = plsc.bitcast(v << 16, jnp.float32)
                f1 = plsc.bitcast(v & jnp.int32(-65536), jnp.float32)
                nxt.append(accs[2 * j] + f0)
                nxt.append(accs[2 * j + 1] + f1)
            return tuple(nxt)

        accs = lax.fori_loop(0, _XCH, step, accs)

    for j in range(_BC // 16):
        res_v[0, pl.ds(16 * j, 16)] = accs[2 * j]
        res_v[1, pl.ds(16 * j, 16)] = accs[2 * j + 1]

    cp0 = pltpu.async_copy(res_v.at[0], out0_hbm.at[pl.ds(b0, _BC)], sem_a)
    cp1 = pltpu.async_copy(res_v.at[1], out1_hbm.at[pl.ds(b0, _BC)], sem_b)
    cp0.wait()
    cp1.wait()


_sc_gather_sum = functools.partial(
    pl.kernel,
    out_type=(jax.ShapeDtypeStruct((_BATCH,), jnp.float32),
              jax.ShapeDtypeStruct((_BATCH,), jnp.float32)),
    mesh=plsc.VectorSubcoreMesh(core_axis_name="c", subcore_axis_name="s"),
    compiler_params=pltpu.CompilerParams(needs_layout_passes=False),
    scratch_types=[
        pltpu.VMEM((_VSIZE,), jnp.int32),
        pltpu.VMEM((2, _XCH, _BC), jnp.int32),
        pltpu.VMEM((_NCLASS, _BC), jnp.float32),
        pltpu.VMEM_SHARED((_VSIZE,), jnp.int32),
        pltpu.SemaphoreType.DMA,
        pltpu.SemaphoreType.DMA,
        pltpu.SemaphoreType.DMA,
    ],
)(_sc_body)


def kernel(input, xycounts, ycounts):
    tab_i32 = pl.pallas_call(
        _logtab_body,
        grid=(_NVBLK,),
        out_shape=jax.ShapeDtypeStruct((_VSIZE,), jnp.int32),
        in_specs=[
            pl.BlockSpec(memory_space=pltpu.SMEM),
            pl.BlockSpec((_NCLASS, _VBLK), lambda i: (0, i)),
        ],
        out_specs=pl.BlockSpec((_VBLK,), lambda i: (i,)),
    )(ycounts.astype(jnp.float32), jnp.swapaxes(xycounts, 0, 1))
    x = input.astype(jnp.int32)
    out0, out1 = _sc_gather_sum(tab_i32, x)
    return jnp.concatenate([out0[:, None], out1[:, None]], axis=1)

# --- scband reference (transcript-rebuilt; emitter-appended) ---
"""Pipeline reference for scband-nb-15315853377774 (READ-ONLY COPY).

The authoritative reference and input builder live on the scoring server;
editing this copy changes nothing except your own understanding.
"""

import jax, jax.numpy as jnp
import numpy as np

VSIZE = 100000
NCLASS = 2
ALPHA = 1.0
SEQ = 200
BATCH = 4096

def setup_inputs(seed: int = 0) -> dict:
    key = jax.random.key(seed)
    k1, k2 = jax.random.split(key)
    x = jax.random.randint(k1, (SEQ, BATCH), 0, VSIZE, dtype=jnp.int64) if jax.config.jax_enable_x64 else jax.random.randint(k1, (SEQ, BATCH), 0, VSIZE, dtype=jnp.int32)
    xycounts = jnp.full((VSIZE, NCLASS), ALPHA, dtype=jnp.float32)
    ycounts = jnp.full((NCLASS,), ALPHA, dtype=jnp.float32)
    return {"input": x, "xycounts": xycounts, "ycounts": ycounts}

def reference(input, xycounts, ycounts):
    vsize = xycounts.shape[0]
    scores = []
    for y in range(NCLASS):
        # gather rows of the count table: xycounts[x, y] -> [SEQ, BATCH]
        s = jnp.log(xycounts[input, y] + ALPHA) - jnp.log(ycounts[y] + vsize * ALPHA)
        scores.append(s.sum(0).reshape(-1, 1))
    return jnp.concatenate(scores, axis=1)

if __name__ == "__main__":
    import jax
    _d = setup_inputs()
    print(jax.jit(kernel)(*tuple(_d.values())))

</pallas_src>

<mosaic_0001>
#map = affine_map<(d0, d1) -> (0)>
#map1 = affine_map<(d0, d1) -> (0, 0)>
module attributes {stable_mosaic.version = 14 : i64} {
  func.func @_sc_body(%arg0: i32, %arg1: i32, %arg2: memref<100000xi32, #tpu.memory_space<hbm>>, %arg3: memref<200x4096xi32, #tpu.memory_space<hbm>>, %arg4: memref<4096xf32, #tpu.memory_space<hbm>>, %arg5: memref<4096xf32, #tpu.memory_space<hbm>>, %arg6: memref<100000xi32, #tpu.memory_space<vmem>>, %arg7: memref<2x40x128xi32, #tpu.memory_space<vmem>>, %arg8: memref<2x128xf32, #tpu.memory_space<vmem>>, %arg9: memref<100000xi32, #tpu.memory_space<vmem_shared>>, %arg10: memref<!tpu.dma_semaphore, #tpu.memory_space<semaphore_mem>>, %arg11: memref<!tpu.dma_semaphore, #tpu.memory_space<semaphore_mem>>, %arg12: memref<!tpu.dma_semaphore, #tpu.memory_space<semaphore_mem>>) attributes {dimension_semantics = [#tpu.dimension_semantics<core_parallel>, #tpu.dimension_semantics<subcore_parallel>], iteration_bounds = array<i64: 2, 16>, scalar_prefetch = 0 : i64, scratch_operands = 7 : i64, tpu.core_type = #tpu.core_type<sc_vector_subcore>, window_params = [{transform_indices = #map}, {transform_indices = #map1}, {transform_indices = #map}, {transform_indices = #map}]} {
    %mul3A = arith.constant 2 : i32
    %mul3A_0 = arith.muli %arg1, %mul3A : i32
    %add3A = arith.addi %mul3A_0, %arg0 : i32
    %mul3A_1 = arith.constant 128 : i32
    %mul3A_2 = arith.muli %add3A, %mul3A_1 : i32
    %dma_start3A = arith.constant 0 : i32
    %dma_start3A_3 = arith.constant 0 : i32
    %dma_start3A_4 = arith.constant 0 : i32
    %dma_start3A_5 = tpu.memref_slice %arg7[%dma_start3A, %dma_start3A_3, %dma_start3A_4] : memref<2x40x128xi32, #tpu.memory_space<vmem>> -> memref<1x40x128xi32, #tpu.memory_space<vmem>>
    %dma_start3A_6 = tpu.memref_squeeze %dma_start3A_5 : memref<1x40x128xi32, #tpu.memory_space<vmem>> -> memref<40x128xi32, #tpu.memory_space<vmem>>
    %dma_start3A_7 = arith.constant 0 : i32
    %dma_start3A_8 = tpu.memref_slice %arg3[%dma_start3A_7, %mul3A_2] : memref<200x4096xi32, #tpu.memory_space<hbm>> -> memref<40x128xi32, #tpu.memory_space<hbm>>
    %dma_start3A_9 = arith.constant 0 : i32
    %dma_start3A_10 = arith.constant 0 : i32
    %dma_start3A_11 = tpu.memref_slice %arg7[%dma_start3A, %dma_start3A_9, %dma_start3A_10] : memref<2x40x128xi32, #tpu.memory_space<vmem>> -> memref<1x40x128xi32, #tpu.memory_space<vmem>>
    %dma_start3A_12 = tpu.memref_squeeze %dma_start3A_11 : memref<1x40x128xi32, #tpu.memory_space<vmem>> -> memref<40x128xi32, #tpu.memory_space<vmem>>
    %dma_start3A_13 = arith.constant 0 : i32
    %dma_start3A_14 = tpu.memref_slice %arg3[%dma_start3A_13, %mul3A_2] : memref<200x4096xi32, #tpu.memory_space<hbm>> -> memref<40x128xi32, #tpu.memory_space<hbm>>
    tpu.enqueue_dma source(%dma_start3A_14 : memref<40x128xi32, #tpu.memory_space<hbm>>) target(%dma_start3A_12 : memref<40x128xi32, #tpu.memory_space<vmem>>) target_semaphore(%arg11 : memref<!tpu.dma_semaphore, #tpu.memory_space<semaphore_mem>>)
    %eq3A = arith.constant 0 : i32
    %eq3A_15 = arith.cmpi eq, %arg1, %eq3A : i32
    %convert_element_type3A = arith.extui %eq3A_15 : i1 to i32
    %cond3A = arith.constant 0 : i32
    %cond3A_16 = arith.cmpi ne, %convert_element_type3A, %cond3A : i32
    scf.if %cond3A_16 {
      tpu.enqueue_dma source(%arg2 : memref<100000xi32, #tpu.memory_space<hbm>>) target(%arg9 : memref<100000xi32, #tpu.memory_space<vmem_shared>>) target_semaphore(%arg10 : memref<!tpu.dma_semaphore, #tpu.memory_space<semaphore_mem>>)
      tpu.wait_dma2 semaphore(%arg10 : memref<!tpu.dma_semaphore, #tpu.memory_space<semaphore_mem>>) src(%arg2 : memref<100000xi32, #tpu.memory_space<hbm>>) dst(%arg9 : memref<100000xi32, #tpu.memory_space<vmem_shared>>)
    } else {
    }
    %barrier3A = arith.constant 0 : index
    tpu.barrier barrier_id(%barrier3A)
    tpu.enqueue_dma source(%arg9 : memref<100000xi32, #tpu.memory_space<vmem_shared>>) target(%arg6 : memref<100000xi32, #tpu.memory_space<vmem>>) target_semaphore(%arg10 : memref<!tpu.dma_semaphore, #tpu.memory_space<semaphore_mem>>)
    tpu.wait_dma2 semaphore(%arg10 : memref<!tpu.dma_semaphore, #tpu.memory_space<semaphore_mem>>) src(%arg9 : memref<100000xi32, #tpu.memory_space<vmem_shared>>) dst(%arg6 : memref<100000xi32, #tpu.memory_space<vmem>>)
    %broadcast_in_dim3A = arith.constant 0.000000e+00 : f32
    %broadcast_in_dim3A_17 = vector.broadcast %broadcast_in_dim3A : f32 to vector<16xf32>
    %dma_start3A_18 = arith.constant 1 : i32
    %dma_start3A_19 = arith.constant 0 : i32
    %dma_start3A_20 = arith.constant 0 : i32
    %dma_start3A_21 = tpu.memref_slice %arg7[%dma_start3A_18, %dma_start3A_19, %dma_start3A_20] : memref<2x40x128xi32, #tpu.memory_space<vmem>> -> memref<1x40x128xi32, #tpu.memory_space<vmem>>
    %dma_start3A_22 = tpu.memref_squeeze %dma_start3A_21 : memref<1x40x128xi32, #tpu.memory_space<vmem>> -> memref<40x128xi32, #tpu.memory_space<vmem>>
    %dma_start3A_23 = arith.constant 40 : i32
    %dma_start3A_24 = tpu.memref_slice %arg3[%dma_start3A_23, %mul3A_2] : memref<200x4096xi32, #tpu.memory_space<hbm>> -> memref<40x128xi32, #tpu.memory_space<hbm>>
    %dma_start3A_25 = arith.constant 0 : i32
    %dma_start3A_26 = arith.constant 0 : i32
    %dma_start3A_27 = tpu.memref_slice %arg7[%dma_start3A_18, %dma_start3A_25, %dma_start3A_26] : memref<2x40x128xi32, #tpu.memory_space<vmem>> -> memref<1x40x128xi32, #tpu.memory_space<vmem>>
    %dma_start3A_28 = tpu.memref_squeeze %dma_start3A_27 : memref<1x40x128xi32, #tpu.memory_space<vmem>> -> memref<40x128xi32, #tpu.memory_space<vmem>>
    %dma_start3A_29 = arith.constant 40 : i32
    %dma_start3A_30 = tpu.memref_slice %arg3[%dma_start3A_29, %mul3A_2] : memref<200x4096xi32, #tpu.memory_space<hbm>> -> memref<40x128xi32, #tpu.memory_space<hbm>>
    tpu.enqueue_dma source(%dma_start3A_30 : memref<40x128xi32, #tpu.memory_space<hbm>>) target(%dma_start3A_28 : memref<40x128xi32, #tpu.memory_space<vmem>>) target_semaphore(%arg12 : memref<!tpu.dma_semaphore, #tpu.memory_space<semaphore_mem>>)
    %dma_wait3A = arith.constant 0 : i32
    %dma_wait3A_31 = arith.constant 0 : i32
    %dma_wait3A_32 = arith.constant 0 : i32
    %dma_wait3A_33 = tpu.memref_slice %arg7[%dma_wait3A, %dma_wait3A_31, %dma_wait3A_32] : memref<2x40x128xi32, #tpu.memory_space<vmem>> -> memref<1x40x128xi32, #tpu.memory_space<vmem>>
    %dma_wait3A_34 = tpu.memref_squeeze %dma_wait3A_33 : memref<1x40x128xi32, #tpu.memory_space<vmem>> -> memref<40x128xi32, #tpu.memory_space<vmem>>
    %dma_wait3A_35 = arith.constant 0 : i32
    %dma_wait3A_36 = tpu.memref_slice %arg3[%dma_wait3A_35, %mul3A_2] : memref<200x4096xi32, #tpu.memory_space<hbm>> -> memref<40x128xi32, #tpu.memory_space<hbm>>
    %dma_wait3A_37 = arith.constant 0 : i32
    %dma_wait3A_38 = arith.constant 0 : i32
    %dma_wait3A_39 = tpu.memref_slice %arg7[%dma_wait3A, %dma_wait3A_37, %dma_wait3A_38] : memref<2x40x128xi32, #tpu.memory_space<vmem>> -> memref<1x40x128xi32, #tpu.memory_space<vmem>>
    %dma_wait3A_40 = tpu.memref_squeeze %dma_wait3A_39 : memref<1x40x128xi32, #tpu.memory_space<vmem>> -> memref<40x128xi32, #tpu.memory_space<vmem>>
    %dma_wait3A_41 = arith.constant 0 : i32
    %dma_wait3A_42 = tpu.memref_slice %arg3[%dma_wait3A_41, %mul3A_2] : memref<200x4096xi32, #tpu.memory_space<hbm>> -> memref<40x128xi32, #tpu.memory_space<hbm>>
    tpu.wait_dma2 semaphore(%arg11 : memref<!tpu.dma_semaphore, #tpu.memory_space<semaphore_mem>>) src(%dma_wait3A_42 : memref<40x128xi32, #tpu.memory_space<hbm>>) dst(%dma_wait3A_40 : memref<40x128xi32, #tpu.memory_space<vmem>>)
    %scan3A = arith.constant 0 : i32
    %scan3A_43 = arith.constant 40 : i32
    %scan3A_44 = arith.addi %scan3A, %scan3A_43 : i32
    %scan3A_45 = arith.constant 1 : i32
    %scan3A_46:16 = scf.for %scan3A_262 = %scan3A to %scan3A_44 step %scan3A_45 iter_args(%scan3A_263 = %broadcast_in_dim3A_17, %scan3A_264 = %broadcast_in_dim3A_17, %scan3A_265 = %broadcast_in_dim3A_17, %scan3A_266 = %broadcast_in_dim3A_17, %scan3A_267 = %broadcast_in_dim3A_17, %scan3A_268 = %broadcast_in_dim3A_17, %scan3A_269 = %broadcast_in_dim3A_17, %scan3A_270 = %broadcast_in_dim3A_17, %scan3A_271 = %broadcast_in_dim3A_17, %scan3A_272 = %broadcast_in_dim3A_17, %scan3A_273 = %broadcast_in_dim3A_17, %scan3A_274 = %broadcast_in_dim3A_17, %scan3A_275 = %broadcast_in_dim3A_17, %scan3A_276 = %broadcast_in_dim3A_17, %scan3A_277 = %broadcast_in_dim3A_17, %scan3A_278 = %broadcast_in_dim3A_17) -> (vector<16xf32>, vector<16xf32>, vector<16xf32>, vector<16xf32>, vector<16xf32>, vector<16xf32>, vector<16xf32>, vector<16xf32>, vector<16xf32>, vector<16xf32>, vector<16xf32>, vector<16xf32>, vector<16xf32>, vector<16xf32>, vector<16xf32>, vector<16xf32>)  : i32 {
      %get3A = arith.constant 0 : i32
      %get3A_279 = arith.index_cast %get3A : i32 to index
      %get3A_280 = arith.index_cast %scan3A_262 : i32 to index
      %get3A_281 = arith.constant 0 : index
      %get3A_282 = tpu.vector_load %arg7[%get3A_279, %get3A_280, %get3A_281] {strides = array<i32>} : memref<2x40x128xi32, #tpu.memory_space<vmem>>, vector<16xi32>,
      %gather3A = tpu.vector_load_idx %arg6[%get3A_282] : memref<100000xi32, #tpu.memory_space<vmem>>[vector<16xi32>], vector<16xi32>,
      %shift_left3A = arith.constant 16 : i32
      %shift_left3A_283 = vector.broadcast %shift_left3A : i32 to vector<16xi32>
      %shift_left3A_284 = arith.shli %gather3A, %shift_left3A_283 : vector<16xi32>
      %bitcast3A = vector.bitcast %shift_left3A_284 : vector<16xi32> to vector<16xf32>
      %and3A = arith.constant -65536 : i32
      %and3A_285 = vector.broadcast %and3A : i32 to vector<16xi32>
      %and3A_286 = arith.andi %gather3A, %and3A_285 : vector<16xi32>
      %bitcast3A_287 = vector.bitcast %and3A_286 : vector<16xi32> to vector<16xf32>
      %add3A_288 = arith.addf %scan3A_263, %bitcast3A : vector<16xf32>
      %add3A_289 = arith.addf %scan3A_264, %bitcast3A_287 : vector<16xf32>
      %get3A_290 = arith.constant 0 : i32
      %get3A_291 = arith.index_cast %get3A_290 : i32 to index
      %get3A_292 = arith.index_cast %scan3A_262 : i32 to index
      %get3A_293 = arith.constant 16 : index
      %get3A_294 = tpu.vector_load %arg7[%get3A_291, %get3A_292, %get3A_293] {strides = array<i32>} : memref<2x40x128xi32, #tpu.memory_space<vmem>>, vector<16xi32>,
      %gather3A_295 = tpu.vector_load_idx %arg6[%get3A_294] : memref<100000xi32, #tpu.memory_space<vmem>>[vector<16xi32>], vector<16xi32>,
      %shift_left3A_296 = arith.constant 16 : i32
      %shift_left3A_297 = vector.broadcast %shift_left3A_296 : i32 to vector<16xi32>
      %shift_left3A_298 = arith.shli %gather3A_295, %shift_left3A_297 : vector<16xi32>
      %bitcast3A_299 = vector.bitcast %shift_left3A_298 : vector<16xi32> to vector<16xf32>
      %and3A_300 = arith.constant -65536 : i32
      %and3A_301 = vector.broadcast %and3A_300 : i32 to vector<16xi32>
      %and3A_302 = arith.andi %gather3A_295, %and3A_301 : vector<16xi32>
      %bitcast3A_303 = vector.bitcast %and3A_302 : vector<16xi32> to vector<16xf32>
      %add3A_304 = arith.addf %scan3A_265, %bitcast3A_299 : vector<16xf32>
      %add3A_305 = arith.addf %scan3A_266, %bitcast3A_303 : vector<16xf32>
      %get3A_306 = arith.constant 0 : i32
      %get3A_307 = arith.index_cast %get3A_306 : i32 to index
      %get3A_308 = arith.index_cast %scan3A_262 : i32 to index
      %get3A_309 = arith.constant 32 : index
      %get3A_310 = tpu.vector_load %arg7[%get3A_307, %get3A_308, %get3A_309] {strides = array<i32>} : memref<2x40x128xi32, #tpu.memory_space<vmem>>, vector<16xi32>,
      %gather3A_311 = tpu.vector_load_idx %arg6[%get3A_310] : memref<100000xi32, #tpu.memory_space<vmem>>[vector<16xi32>], vector<16xi32>,
      %shift_left3A_312 = arith.constant 16 : i32
      %shift_left3A_313 = vector.broadcast %shift_left3A_312 : i32 to vector<16xi32>
      %shift_left3A_314 = arith.shli %gather3A_311, %shift_left3A_313 : vector<16xi32>
      %bitcast3A_315 = vector.bitcast %shift_left3A_314 : vector<16xi32> to vector<16xf32>
      %and3A_316 = arith.constant -65536 : i32
      %and3A_317 = vector.broadcast %and3A_316 : i32 to vector<16xi32>
      %and3A_318 = arith.andi %gather3A_311, %and3A_317 : vector<16xi32>
      %bitcast3A_319 = vector.bitcast %and3A_318 : vector<16xi32> to vector<16xf32>
      %add3A_320 = arith.addf %scan3A_267, %bitcast3A_315 : vector<16xf32>
      %add3A_321 = arith.addf %scan3A_268, %bitcast3A_319 : vector<16xf32>
      %get3A_322 = arith.constant 0 : i32
      %get3A_323 = arith.index_cast %get3A_322 : i32 to index
      %get3A_324 = arith.index_cast %scan3A_262 : i32 to index
      %get3A_325 = arith.constant 48 : index
      %get3A_326 = tpu.vector_load %arg7[%get3A_323, %get3A_324, %get3A_325] {strides = array<i32>} : memref<2x40x128xi32, #tpu.memory_space<vmem>>, vector<16xi32>,
      %gather3A_327 = tpu.vector_load_idx %arg6[%get3A_326] : memref<100000xi32, #tpu.memory_space<vmem>>[vector<16xi32>], vector<16xi32>,
      %shift_left3A_328 = arith.constant 16 : i32
      %shift_left3A_329 = vector.broadcast %shift_left3A_328 : i32 to vector<16xi32>
      %shift_left3A_330 = arith.shli %gather3A_327, %shift_left3A_329 : vector<16xi32>
      %bitcast3A_331 = vector.bitcast %shift_left3A_330 : vector<16xi32> to vector<16xf32>
      %and3A_332 = arith.constant -65536 : i32
      %and3A_333 = vector.broadcast %and3A_332 : i32 to vector<16xi32>
      %and3A_334 = arith.andi %gather3A_327, %and3A_333 : vector<16xi32>
      %bitcast3A_335 = vector.bitcast %and3A_334 : vector<16xi32> to vector<16xf32>
      %add3A_336 = arith.addf %scan3A_269, %bitcast3A_331 : vector<16xf32>
      %add3A_337 = arith.addf %scan3A_270, %bitcast3A_335 : vector<16xf32>
      %get3A_338 = arith.constant 0 : i32
      %get3A_339 = arith.index_cast %get3A_338 : i32 to index
      %get3A_340 = arith.index_cast %scan3A_262 : i32 to index
      %get3A_341 = arith.constant 64 : index
      %get3A_342 = tpu.vector_load %arg7[%get3A_339, %get3A_340, %get3A_341] {strides = array<i32>} : memref<2x40x128xi32, #tpu.memory_space<vmem>>, vector<16xi32>,
      %gather3A_343 = tpu.vector_load_idx %arg6[%get3A_342] : memref<100000xi32, #tpu.memory_space<vmem>>[vector<16xi32>], vector<16xi32>,
      %shift_left3A_344 = arith.constant 16 : i32
      %shift_left3A_345 = vector.broadcast %shift_left3A_344 : i32 to vector<16xi32>
      %shift_left3A_346 = arith.shli %gather3A_343, %shift_left3A_345 : vector<16xi32>
      %bitcast3A_347 = vector.bitcast %shift_left3A_346 : vector<16xi32> to vector<16xf32>
      %and3A_348 = arith.constant -65536 : i32
      %and3A_349 = vector.broadcast %and3A_348 : i32 to vector<16xi32>
      %and3A_350 = arith.andi %gather3A_343, %and3A_349 : vector<16xi32>
      %bitcast3A_351 = vector.bitcast %and3A_350 : vector<16xi32> to vector<16xf32>
      %add3A_352 = arith.addf %scan3A_271, %bitcast3A_347 : vector<16xf32>
      %add3A_353 = arith.addf %scan3A_272, %bitcast3A_351 : vector<16xf32>
      %get3A_354 = arith.constant 0 : i32
      %get3A_355 = arith.index_cast %get3A_354 : i32 to index
      %get3A_356 = arith.index_cast %scan3A_262 : i32 to index
      %get3A_357 = arith.constant 80 : index
      %get3A_358 = tpu.vector_load %arg7[%get3A_355, %get3A_356, %get3A_357] {strides = array<i32>} : memref<2x40x128xi32, #tpu.memory_space<vmem>>, vector<16xi32>,
      %gather3A_359 = tpu.vector_load_idx %arg6[%get3A_358] : memref<100000xi32, #tpu.memory_space<vmem>>[vector<16xi32>], vector<16xi32>,
      %shift_left3A_360 = arith.constant 16 : i32
      %shift_left3A_361 = vector.broadcast %shift_left3A_360 : i32 to vector<16xi32>
      %shift_left3A_362 = arith.shli %gather3A_359, %shift_left3A_361 : vector<16xi32>
      %bitcast3A_363 = vector.bitcast %shift_left3A_362 : vector<16xi32> to vector<16xf32>
      %and3A_364 = arith.constant -65536 : i32
      %and3A_365 = vector.broadcast %and3A_364 : i32 to vector<16xi32>
      %and3A_366 = arith.andi %gather3A_359, %and3A_365 : vector<16xi32>
      %bitcast3A_367 = vector.bitcast %and3A_366 : vector<16xi32> to vector<16xf32>
      %add3A_368 = arith.addf %scan3A_273, %bitcast3A_363 : vector<16xf32>
      %add3A_369 = arith.addf %scan3A_274, %bitcast3A_367 : vector<16xf32>
      %get3A_370 = arith.constant 0 : i32
      %get3A_371 = arith.index_cast %get3A_370 : i32 to index
      %get3A_372 = arith.index_cast %scan3A_262 : i32 to index
      %get3A_373 = arith.constant 96 : index
      %get3A_374 = tpu.vector_load %arg7[%get3A_371, %get3A_372, %get3A_373] {strides = array<i32>} : memref<2x40x128xi32, #tpu.memory_space<vmem>>, vector<16xi32>,
      %gather3A_375 = tpu.vector_load_idx %arg6[%get3A_374] : memref<100000xi32, #tpu.memory_space<vmem>>[vector<16xi32>], vector<16xi32>,
      %shift_left3A_376 = arith.constant 16 : i32
      %shift_left3A_377 = vector.broadcast %shift_left3A_376 : i32 to vector<16xi32>
      %shift_left3A_378 = arith.shli %gather3A_375, %shift_left3A_377 : vector<16xi32>
      %bitcast3A_379 = vector.bitcast %shift_left3A_378 : vector<16xi32> to vector<16xf32>
      %and3A_380 = arith.constant -65536 : i32
      %and3A_381 = vector.broadcast %and3A_380 : i32 to vector<16xi32>
      %and3A_382 = arith.andi %gather3A_375, %and3A_381 : vector<16xi32>
      %bitcast3A_383 = vector.bitcast %and3A_382 : vector<16xi32> to vector<16xf32>
      %add3A_384 = arith.addf %scan3A_275, %bitcast3A_379 : vector<16xf32>
      %add3A_385 = arith.addf %scan3A_276, %bitcast3A_383 : vector<16xf32>
      %get3A_386 = arith.constant 0 : i32
      %get3A_387 = arith.index_cast %get3A_386 : i32 to index
      %get3A_388 = arith.index_cast %scan3A_262 : i32 to index
      %get3A_389 = arith.constant 112 : index
      %get3A_390 = tpu.vector_load %arg7[%get3A_387, %get3A_388, %get3A_389] {strides = array<i32>} : memref<2x40x128xi32, #tpu.memory_space<vmem>>, vector<16xi32>,
      %gather3A_391 = tpu.vector_load_idx %arg6[%get3A_390] : memref<100000xi32, #tpu.memory_space<vmem>>[vector<16xi32>], vector<16xi32>,
      %shift_left3A_392 = arith.constant 16 : i32
      %shift_left3A_393 = vector.broadcast %shift_left3A_392 : i32 to vector<16xi32>
      %shift_left3A_394 = arith.shli %gather3A_391, %shift_left3A_393 : vector<16xi32>
      %bitcast3A_395 = vector.bitcast %shift_left3A_394 : vector<16xi32> to vector<16xf32>
      %and3A_396 = arith.constant -65536 : i32
      %and3A_397 = vector.broadcast %and3A_396 : i32 to vector<16xi32>
      %and3A_398 = arith.andi %gather3A_391, %and3A_397 : vector<16xi32>
      %bitcast3A_399 = vector.bitcast %and3A_398 : vector<16xi32> to vector<16xf32>
      %add3A_400 = arith.addf %scan3A_277, %bitcast3A_395 : vector<16xf32>
      %add3A_401 = arith.addf %scan3A_278, %bitcast3A_399 : vector<16xf32>
      scf.yield %add3A_288, %add3A_289, %add3A_304, %add3A_305, %add3A_320, %add3A_321, %add3A_336, %add3A_337, %add3A_352, %add3A_353, %add3A_368, %add3A_369, %add3A_384, %add3A_385, %add3A_400, %add3A_401 : vector<16xf32>, vector<16xf32>, vector<16xf32>, vector<16xf32>, vector<16xf32>, vector<16xf32>, vector<16xf32>, vector<16xf32>, vector<16xf32>, vector<16xf32>, vector<16xf32>, vector<16xf32>, vector<16xf32>, vector<16xf32>, vector<16xf32>, vector<16xf32>
    }
    %scan3A_47 = arith.constant 40 : i32
    %dma_start3A_48 = arith.constant 0 : i32
    %dma_start3A_49 = arith.constant 0 : i32
    %dma_start3A_50 = arith.constant 0 : i32
    %dma_start3A_51 = tpu.memref_slice %arg7[%dma_start3A_48, %dma_start3A_49, %dma_start3A_50] : memref<2x40x128xi32, #tpu.memory_space<vmem>> -> memref<1x40x128xi32, #tpu.memory_space<vmem>>
    %dma_start3A_52 = tpu.memref_squeeze %dma_start3A_51 : memref<1x40x128xi32, #tpu.memory_space<vmem>> -> memref<40x128xi32, #tpu.memory_space<vmem>>
    %dma_start3A_53 = arith.constant 80 : i32
    %dma_start3A_54 = tpu.memref_slice %arg3[%dma_start3A_53, %mul3A_2] : memref<200x4096xi32, #tpu.memory_space<hbm>> -> memref<40x128xi32, #tpu.memory_space<hbm>>
    %dma_start3A_55 = arith.constant 0 : i32
    %dma_start3A_56 = arith.constant 0 : i32
    %dma_start3A_57 = tpu.memref_slice %arg7[%dma_start3A_48, %dma_start3A_55, %dma_start3A_56] : memref<2x40x128xi32, #tpu.memory_space<vmem>> -> memref<1x40x128xi32, #tpu.memory_space<vmem>>
    %dma_start3A_58 = tpu.memref_squeeze %dma_start3A_57 : memref<1x40x128xi32, #tpu.memory_space<vmem>> -> memref<40x128xi32, #tpu.memory_space<vmem>>
    %dma_start3A_59 = arith.constant 80 : i32
    %dma_start3A_60 = tpu.memref_slice %arg3[%dma_start3A_59, %mul3A_2] : memref<200x4096xi32, #tpu.memory_space<hbm>> -> memref<40x128xi32, #tpu.memory_space<hbm>>
    tpu.enqueue_dma source(%dma_start3A_60 : memref<40x128xi32, #tpu.memory_space<hbm>>) target(%dma_start3A_58 : memref<40x128xi32, #tpu.memory_space<vmem>>) target_semaphore(%arg11 : memref<!tpu.dma_semaphore, #tpu.memory_space<semaphore_mem>>)
    %dma_wait3A_61 = arith.constant 1 : i32
    %dma_wait3A_62 = arith.constant 0 : i32
    %dma_wait3A_63 = arith.constant 0 : i32
    %dma_wait3A_64 = tpu.memref_slice %arg7[%dma_wait3A_61, %dma_wait3A_62, %dma_wait3A_63] : memref<2x40x128xi32, #tpu.memory_space<vmem>> -> memref<1x40x128xi32, #tpu.memory_space<vmem>>
    %dma_wait3A_65 = tpu.memref_squeeze %dma_wait3A_64 : memref<1x40x128xi32, #tpu.memory_space<vmem>> -> memref<40x128xi32, #tpu.memory_space<vmem>>
    %dma_wait3A_66 = arith.constant 40 : i32
    %dma_wait3A_67 = tpu.memref_slice %arg3[%dma_wait3A_66, %mul3A_2] : memref<200x4096xi32, #tpu.memory_space<hbm>> -> memref<40x128xi32, #tpu.memory_space<hbm>>
    %dma_wait3A_68 = arith.constant 0 : i32
    %dma_wait3A_69 = arith.constant 0 : i32
    %dma_wait3A_70 = tpu.memref_slice %arg7[%dma_wait3A_61, %dma_wait3A_68, %dma_wait3A_69] : memref<2x40x128xi32, #tpu.memory_space<vmem>> -> memref<1x40x128xi32, #tpu.memory_space<vmem>>
    %dma_wait3A_71 = tpu.memref_squeeze %dma_wait3A_70 : memref<1x40x128xi32, #tpu.memory_space<vmem>> -> memref<40x128xi32, #tpu.memory_space<vmem>>
    %dma_wait3A_72 = arith.constant 40 : i32
    %dma_wait3A_73 = tpu.memref_slice %arg3[%dma_wait3A_72, %mul3A_2] : memref<200x4096xi32, #tpu.memory_space<hbm>> -> memref<40x128xi32, #tpu.memory_space<hbm>>
    tpu.wait_dma2 semaphore(%arg12 : memref<!tpu.dma_semaphore, #tpu.memory_space<semaphore_mem>>) src(%dma_wait3A_73 : memref<40x128xi32, #tpu.memory_space<hbm>>) dst(%dma_wait3A_71 : memref<40x128xi32, #tpu.memory_space<vmem>>)
    %scan3A_74 = arith.constant 0 : i32
    %scan3A_75 = arith.constant 40 : i32
    %scan3A_76 = arith.addi %scan3A_74, %scan3A_75 : i32
    %scan3A_77 = arith.constant 1 : i32
    %scan3A_78:16 = scf.for %scan3A_262 = %scan3A_74 to %scan3A_76 step %scan3A_77 iter_args(%scan3A_263 = %scan3A_46#0, %scan3A_264 = %scan3A_46#1, %scan3A_265 = %scan3A_46#2, %scan3A_266 = %scan3A_46#3, %scan3A_267 = %scan3A_46#4, %scan3A_268 = %scan3A_46#5, %scan3A_269 = %scan3A_46#6, %scan3A_270 = %scan3A_46#7, %scan3A_271 = %scan3A_46#8, %scan3A_272 = %scan3A_46#9, %scan3A_273 = %scan3A_46#10, %scan3A_274 = %scan3A_46#11, %scan3A_275 = %scan3A_46#12, %scan3A_276 = %scan3A_46#13, %scan3A_277 = %scan3A_46#14, %scan3A_278 = %scan3A_46#15) -> (vector<16xf32>, vector<16xf32>, vector<16xf32>, vector<16xf32>, vector<16xf32>, vector<16xf32>, vector<16xf32>, vector<16xf32>, vector<16xf32>, vector<16xf32>, vector<16xf32>, vector<16xf32>, vector<16xf32>, vector<16xf32>, vector<16xf32>, vector<16xf32>)  : i32 {
      %get3A = arith.constant 1 : i32
      %get3A_279 = arith.index_cast %get3A : i32 to index
      %get3A_280 = arith.index_cast %scan3A_262 : i32 to index
      %get3A_281 = arith.constant 0 : index
      %get3A_282 = tpu.vector_load %arg7[%get3A_279, %get3A_280, %get3A_281] {strides = array<i32>} : memref<2x40x128xi32, #tpu.memory_space<vmem>>, vector<16xi32>,
      %gather3A = tpu.vector_load_idx %arg6[%get3A_282] : memref<100000xi32, #tpu.memory_space<vmem>>[vector<16xi32>], vector<16xi32>,
      %shift_left3A = arith.constant 16 : i32
      %shift_left3A_283 = vector.broadcast %shift_left3A : i32 to vector<16xi32>
      %shift_left3A_284 = arith.shli %gather3A, %shift_left3A_283 : vector<16xi32>
      %bitcast3A = vector.bitcast %shift_left3A_284 : vector<16xi32> to vector<16xf32>
      %and3A = arith.constant -65536 : i32
      %and3A_285 = vector.broadcast %and3A : i32 to vector<16xi32>
      %and3A_286 = arith.andi %gather3A, %and3A_285 : vector<16xi32>
      %bitcast3A_287 = vector.bitcast %and3A_286 : vector<16xi32> to vector<16xf32>
      %add3A_288 = arith.addf %scan3A_263, %bitcast3A : vector<16xf32>
      %add3A_289 = arith.addf %scan3A_264, %bitcast3A_287 : vector<16xf32>
      %get3A_290 = arith.constant 1 : i32
      %get3A_291 = arith.index_cast %get3A_290 : i32 to index
      %get3A_292 = arith.index_cast %scan3A_262 : i32 to index
      %get3A_293 = arith.constant 16 : index
      %get3A_294 = tpu.vector_load %arg7[%get3A_291, %get3A_292, %get3A_293] {strides = array<i32>} : memref<2x40x128xi32, #tpu.memory_space<vmem>>, vector<16xi32>,
      %gather3A_295 = tpu.vector_load_idx %arg6[%get3A_294] : memref<100000xi32, #tpu.memory_space<vmem>>[vector<16xi32>], vector<16xi32>,
      %shift_left3A_296 = arith.constant 16 : i32
      %shift_left3A_297 = vector.broadcast %shift_left3A_296 : i32 to vector<16xi32>
      %shift_left3A_298 = arith.shli %gather3A_295, %shift_left3A_297 : vector<16xi32>
      %bitcast3A_299 = vector.bitcast %shift_left3A_298 : vector<16xi32> to vector<16xf32>
      %and3A_300 = arith.constant -65536 : i32
      %and3A_301 = vector.broadcast %and3A_300 : i32 to vector<16xi32>
      %and3A_302 = arith.andi %gather3A_295, %and3A_301 : vector<16xi32>
      %bitcast3A_303 = vector.bitcast %and3A_302 : vector<16xi32> to vector<16xf32>
      %add3A_304 = arith.addf %scan3A_265, %bitcast3A_299 : vector<16xf32>
      %add3A_305 = arith.addf %scan3A_266, %bitcast3A_303 : vector<16xf32>
      %get3A_306 = arith.constant 1 : i32
      %get3A_307 = arith.index_cast %get3A_306 : i32 to index
      %get3A_308 = arith.index_cast %scan3A_262 : i32 to index
      %get3A_309 = arith.constant 32 : index
      %get3A_310 = tpu.vector_load %arg7[%get3A_307, %get3A_308, %get3A_309] {strides = array<i32>} : memref<2x40x128xi32, #tpu.memory_space<vmem>>, vector<16xi32>,
      %gather3A_311 = tpu.vector_load_idx %arg6[%get3A_310] : memref<100000xi32, #tpu.memory_space<vmem>>[vector<16xi32>], vector<16xi32>,
      %shift_left3A_312 = arith.constant 16 : i32
      %shift_left3A_313 = vector.broadcast %shift_left3A_312 : i32 to vector<16xi32>
      %shift_left3A_314 = arith.shli %gather3A_311, %shift_left3A_313 : vector<16xi32>
      %bitcast3A_315 = vector.bitcast %shift_left3A_314 : vector<16xi32> to vector<16xf32>
      %and3A_316 = arith.constant -65536 : i32
      %and3A_317 = vector.broadcast %and3A_316 : i32 to vector<16xi32>
      %and3A_318 = arith.andi %gather3A_311, %and3A_317 : vector<16xi32>
      %bitcast3A_319 = vector.bitcast %and3A_318 : vector<16xi32> to vector<16xf32>
      %add3A_320 = arith.addf %scan3A_267, %bitcast3A_315 : vector<16xf32>
      %add3A_321 = arith.addf %scan3A_268, %bitcast3A_319 : vector<16xf32>
      %get3A_322 = arith.constant 1 : i32
      %get3A_323 = arith.index_cast %get3A_322 : i32 to index
      %get3A_324 = arith.index_cast %scan3A_262 : i32 to index
      %get3A_325 = arith.constant 48 : index
      %get3A_326 = tpu.vector_load %arg7[%get3A_323, %get3A_324, %get3A_325] {strides = array<i32>} : memref<2x40x128xi32, #tpu.memory_space<vmem>>, vector<16xi32>,
      %gather3A_327 = tpu.vector_load_idx %arg6[%get3A_326] : memref<100000xi32, #tpu.memory_space<vmem>>[vector<16xi32>], vector<16xi32>,
      %shift_left3A_328 = arith.constant 16 : i32
      %shift_left3A_329 = vector.broadcast %shift_left3A_328 : i32 to vector<16xi32>
      %shift_left3A_330 = arith.shli %gather3A_327, %shift_left3A_329 : vector<16xi32>
      %bitcast3A_331 = vector.bitcast %shift_left3A_330 : vector<16xi32> to vector<16xf32>
      %and3A_332 = arith.constant -65536 : i32
      %and3A_333 = vector.broadcast %and3A_332 : i32 to vector<16xi32>
      %and3A_334 = arith.andi %gather3A_327, %and3A_333 : vector<16xi32>
      %bitcast3A_335 = vector.bitcast %and3A_334 : vector<16xi32> to vector<16xf32>
      %add3A_336 = arith.addf %scan3A_269, %bitcast3A_331 : vector<16xf32>
      %add3A_337 = arith.addf %scan3A_270, %bitcast3A_335 : vector<16xf32>
      %get3A_338 = arith.constant 1 : i32
      %get3A_339 = arith.index_cast %get3A_338 : i32 to index
      %get3A_340 = arith.index_cast %scan3A_262 : i32 to index
      %get3A_341 = arith.constant 64 : index
      %get3A_342 = tpu.vector_load %arg7[%get3A_339, %get3A_340, %get3A_341] {strides = array<i32>} : memref<2x40x128xi32, #tpu.memory_space<vmem>>, vector<16xi32>,
      %gather3A_343 = tpu.vector_load_idx %arg6[%get3A_342] : memref<100000xi32, #tpu.memory_space<vmem>>[vector<16xi32>], vector<16xi32>,
      %shift_left3A_344 = arith.constant 16 : i32
      %shift_left3A_345 = vector.broadcast %shift_left3A_344 : i32 to vector<16xi32>
      %shift_left3A_346 = arith.shli %gather3A_343, %shift_left3A_345 : vector<16xi32>
      %bitcast3A_347 = vector.bitcast %shift_left3A_346 : vector<16xi32> to vector<16xf32>
      %and3A_348 = arith.constant -65536 : i32
      %and3A_349 = vector.broadcast %and3A_348 : i32 to vector<16xi32>
      %and3A_350 = arith.andi %gather3A_343, %and3A_349 : vector<16xi32>
      %bitcast3A_351 = vector.bitcast %and3A_350 : vector<16xi32> to vector<16xf32>
      %add3A_352 = arith.addf %scan3A_271, %bitcast3A_347 : vector<16xf32>
      %add3A_353 = arith.addf %scan3A_272, %bitcast3A_351 : vector<16xf32>
      %get3A_354 = arith.constant 1 : i32
      %get3A_355 = arith.index_cast %get3A_354 : i32 to index
      %get3A_356 = arith.index_cast %scan3A_262 : i32 to index
      %get3A_357 = arith.constant 80 : index
      %get3A_358 = tpu.vector_load %arg7[%get3A_355, %get3A_356, %get3A_357] {strides = array<i32>} : memref<2x40x128xi32, #tpu.memory_space<vmem>>, vector<16xi32>,
      %gather3A_359 = tpu.vector_load_idx %arg6[%get3A_358] : memref<100000xi32, #tpu.memory_space<vmem>>[vector<16xi32>], vector<16xi32>,
      %shift_left3A_360 = arith.constant 16 : i32
      %shift_left3A_361 = vector.broadcast %shift_left3A_360 : i32 to vector<16xi32>
      %shift_left3A_362 = arith.shli %gather3A_359, %shift_left3A_361 : vector<16xi32>
      %bitcast3A_363 = vector.bitcast %shift_left3A_362 : vector<16xi32> to vector<16xf32>
      %and3A_364 = arith.constant -65536 : i32
      %and3A_365 = vector.broadcast %and3A_364 : i32 to vector<16xi32>
      %and3A_366 = arith.andi %gather3A_359, %and3A_365 : vector<16xi32>
      %bitcast3A_367 = vector.bitcast %and3A_366 : vector<16xi32> to vector<16xf32>
      %add3A_368 = arith.addf %scan3A_273, %bitcast3A_363 : vector<16xf32>
      %add3A_369 = arith.addf %scan3A_274, %bitcast3A_367 : vector<16xf32>
      %get3A_370 = arith.constant 1 : i32
      %get3A_371 = arith.index_cast %get3A_370 : i32 to index
      %get3A_372 = arith.index_cast %scan3A_262 : i32 to index
      %get3A_373 = arith.constant 96 : index
      %get3A_374 = tpu.vector_load %arg7[%get3A_371, %get3A_372, %get3A_373] {strides = array<i32>} : memref<2x40x128xi32, #tpu.memory_space<vmem>>, vector<16xi32>,
      %gather3A_375 = tpu.vector_load_idx %arg6[%get3A_374] : memref<100000xi32, #tpu.memory_space<vmem>>[vector<16xi32>], vector<16xi32>,
      %shift_left3A_376 = arith.constant 16 : i32
      %shift_left3A_377 = vector.broadcast %shift_left3A_376 : i32 to vector<16xi32>
      %shift_left3A_378 = arith.shli %gather3A_375, %shift_left3A_377 : vector<16xi32>
      %bitcast3A_379 = vector.bitcast %shift_left3A_378 : vector<16xi32> to vector<16xf32>
      %and3A_380 = arith.constant -65536 : i32
      %and3A_381 = vector.broadcast %and3A_380 : i32 to vector<16xi32>
      %and3A_382 = arith.andi %gather3A_375, %and3A_381 : vector<16xi32>
      %bitcast3A_383 = vector.bitcast %and3A_382 : vector<16xi32> to vector<16xf32>
      %add3A_384 = arith.addf %scan3A_275, %bitcast3A_379 : vector<16xf32>
      %add3A_385 = arith.addf %scan3A_276, %bitcast3A_383 : vector<16xf32>
      %get3A_386 = arith.constant 1 : i32
      %get3A_387 = arith.index_cast %get3A_386 : i32 to index
      %get3A_388 = arith.index_cast %scan3A_262 : i32 to index
      %get3A_389 = arith.constant 112 : index
      %get3A_390 = tpu.vector_load %arg7[%get3A_387, %get3A_388, %get3A_389] {strides = array<i32>} : memref<2x40x128xi32, #tpu.memory_space<vmem>>, vector<16xi32>,
      %gather3A_391 = tpu.vector_load_idx %arg6[%get3A_390] : memref<100000xi32, #tpu.memory_space<vmem>>[vector<16xi32>], vector<16xi32>,
      %shift_left3A_392 = arith.constant 16 : i32
      %shift_left3A_393 = vector.broadcast %shift_left3A_392 : i32 to vector<16xi32>
      %shift_left3A_394 = arith.shli %gather3A_391, %shift_left3A_393 : vector<16xi32>
      %bitcast3A_395 = vector.bitcast %shift_left3A_394 : vector<16xi32> to vector<16xf32>
      %and3A_396 = arith.constant -65536 : i32
      %and3A_397 = vector.broadcast %and3A_396 : i32 to vector<16xi32>
      %and3A_398 = arith.andi %gather3A_391, %and3A_397 : vector<16xi32>
      %bitcast3A_399 = vector.bitcast %and3A_398 : vector<16xi32> to vector<16xf32>
      %add3A_400 = arith.addf %scan3A_277, %bitcast3A_395 : vector<16xf32>
      %add3A_401 = arith.addf %scan3A_278, %bitcast3A_399 : vector<16xf32>
      scf.yield %add3A_288, %add3A_289, %add3A_304, %add3A_305, %add3A_320, %add3A_321, %add3A_336, %add3A_337, %add3A_352, %add3A_353, %add3A_368, %add3A_369, %add3A_384, %add3A_385, %add3A_400, %add3A_401 : vector<16xf32>, vector<16xf32>, vector<16xf32>, vector<16xf32>, vector<16xf32>, vector<16xf32>, vector<16xf32>, vector<16xf32>, vector<16xf32>, vector<16xf32>, vector<16xf32>, vector<16xf32>, vector<16xf32>, vector<16xf32>, vector<16xf32>, vector<16xf32>
    }
    %scan3A_79 = arith.constant 40 : i32
    %dma_start3A_80 = arith.constant 1 : i32
    %dma_start3A_81 = arith.constant 0 : i32
    %dma_start3A_82 = arith.constant 0 : i32
    %dma_start3A_83 = tpu.memref_slice %arg7[%dma_start3A_80, %dma_start3A_81, %dma_start3A_82] : memref<2x40x128xi32, #tpu.memory_space<vmem>> -> memref<1x40x128xi32, #tpu.memory_space<vmem>>
    %dma_start3A_84 = tpu.memref_squeeze %dma_start3A_83 : memref<1x40x128xi32, #tpu.memory_space<vmem>> -> memref<40x128xi32, #tpu.memory_space<vmem>>
    %dma_start3A_85 = arith.constant 120 : i32
    %dma_start3A_86 = tpu.memref_slice %arg3[%dma_start3A_85, %mul3A_2] : memref<200x4096xi32, #tpu.memory_space<hbm>> -> memref<40x128xi32, #tpu.memory_space<hbm>>
    %dma_start3A_87 = arith.constant 0 : i32
    %dma_start3A_88 = arith.constant 0 : i32
    %dma_start3A_89 = tpu.memref_slice %arg7[%dma_start3A_80, %dma_start3A_87, %dma_start3A_88] : memref<2x40x128xi32, #tpu.memory_space<vmem>> -> memref<1x40x128xi32, #tpu.memory_space<vmem>>
    %dma_start3A_90 = tpu.memref_squeeze %dma_start3A_89 : memref<1x40x128xi32, #tpu.memory_space<vmem>> -> memref<40x128xi32, #tpu.memory_space<vmem>>
    %dma_start3A_91 = arith.constant 120 : i32
    %dma_start3A_92 = tpu.memref_slice %arg3[%dma_start3A_91, %mul3A_2] : memref<200x4096xi32, #tpu.memory_space<hbm>> -> memref<40x128xi32, #tpu.memory_space<hbm>>
    tpu.enqueue_dma source(%dma_start3A_92 : memref<40x128xi32, #tpu.memory_space<hbm>>) target(%dma_start3A_90 : memref<40x128xi32, #tpu.memory_space<vmem>>) target_semaphore(%arg12 : memref<!tpu.dma_semaphore, #tpu.memory_space<semaphore_mem>>)
    %dma_wait3A_93 = arith.constant 0 : i32
    %dma_wait3A_94 = arith.constant 0 : i32
    %dma_wait3A_95 = arith.constant 0 : i32
    %dma_wait3A_96 = tpu.memref_slice %arg7[%dma_wait3A_93, %dma_wait3A_94, %dma_wait3A_95] : memref<2x40x128xi32, #tpu.memory_space<vmem>> -> memref<1x40x128xi32, #tpu.memory_space<vmem>>
    %dma_wait3A_97 = tpu.memref_squeeze %dma_wait3A_96 : memref<1x40x128xi32, #tpu.memory_space<vmem>> -> memref<40x128xi32, #tpu.memory_space<vmem>>
    %dma_wait3A_98 = arith.constant 80 : i32
    %dma_wait3A_99 = tpu.memref_slice %arg3[%dma_wait3A_98, %mul3A_2] : memref<200x4096xi32, #tpu.memory_space<hbm>> -> memref<40x128xi32, #tpu.memory_space<hbm>>
    %dma_wait3A_100 = arith.constant 0 : i32
    %dma_wait3A_101 = arith.constant 0 : i32
    %dma_wait3A_102 = tpu.memref_slice %arg7[%dma_wait3A_93, %dma_wait3A_100, %dma_wait3A_101] : memref<2x40x128xi32, #tpu.memory_space<vmem>> -> memref<1x40x128xi32, #tpu.memory_space<vmem>>
    %dma_wait3A_103 = tpu.memref_squeeze %dma_wait3A_102 : memref<1x40x128xi32, #tpu.memory_space<vmem>> -> memref<40x128xi32, #tpu.memory_space<vmem>>
    %dma_wait3A_104 = arith.constant 80 : i32
    %dma_wait3A_105 = tpu.memref_slice %arg3[%dma_wait3A_104, %mul3A_2] : memref<200x4096xi32, #tpu.memory_space<hbm>> -> memref<40x128xi32, #tpu.memory_space<hbm>>
    tpu.wait_dma2 semaphore(%arg11 : memref<!tpu.dma_semaphore, #tpu.memory_space<semaphore_mem>>) src(%dma_wait3A_105 : memref<40x128xi32, #tpu.memory_space<hbm>>) dst(%dma_wait3A_103 : memref<40x128xi32, #tpu.memory_space<vmem>>)
    %scan3A_106 = arith.constant 0 : i32
    %scan3A_107 = arith.constant 40 : i32
    %scan3A_108 = arith.addi %scan3A_106, %scan3A_107 : i32
    %scan3A_109 = arith.constant 1 : i32
    %scan3A_110:16 = scf.for %scan3A_262 = %scan3A_106 to %scan3A_108 step %scan3A_109 iter_args(%scan3A_263 = %scan3A_78#0, %scan3A_264 = %scan3A_78#1, %scan3A_265 = %scan3A_78#2, %scan3A_266 = %scan3A_78#3, %scan3A_267 = %scan3A_78#4, %scan3A_268 = %scan3A_78#5, %scan3A_269 = %scan3A_78#6, %scan3A_270 = %scan3A_78#7, %scan3A_271 = %scan3A_78#8, %scan3A_272 = %scan3A_78#9, %scan3A_273 = %scan3A_78#10, %scan3A_274 = %scan3A_78#11, %scan3A_275 = %scan3A_78#12, %scan3A_276 = %scan3A_78#13, %scan3A_277 = %scan3A_78#14, %scan3A_278 = %scan3A_78#15) -> (vector<16xf32>, vector<16xf32>, vector<16xf32>, vector<16xf32>, vector<16xf32>, vector<16xf32>, vector<16xf32>, vector<16xf32>, vector<16xf32>, vector<16xf32>, vector<16xf32>, vector<16xf32>, vector<16xf32>, vector<16xf32>, vector<16xf32>, vector<16xf32>)  : i32 {
      %get3A = arith.constant 0 : i32
      %get3A_279 = arith.index_cast %get3A : i32 to index
      %get3A_280 = arith.index_cast %scan3A_262 : i32 to index
      %get3A_281 = arith.constant 0 : index
      %get3A_282 = tpu.vector_load %arg7[%get3A_279, %get3A_280, %get3A_281] {strides = array<i32>} : memref<2x40x128xi32, #tpu.memory_space<vmem>>, vector<16xi32>,
      %gather3A = tpu.vector_load_idx %arg6[%get3A_282] : memref<100000xi32, #tpu.memory_space<vmem>>[vector<16xi32>], vector<16xi32>,
      %shift_left3A = arith.constant 16 : i32
      %shift_left3A_283 = vector.broadcast %shift_left3A : i32 to vector<16xi32>
      %shift_left3A_284 = arith.shli %gather3A, %shift_left3A_283 : vector<16xi32>
      %bitcast3A = vector.bitcast %shift_left3A_284 : vector<16xi32> to vector<16xf32>
      %and3A = arith.constant -65536 : i32
      %and3A_285 = vector.broadcast %and3A : i32 to vector<16xi32>
      %and3A_286 = arith.andi %gather3A, %and3A_285 : vector<16xi32>
      %bitcast3A_287 = vector.bitcast %and3A_286 : vector<16xi32> to vector<16xf32>
      %add3A_288 = arith.addf %scan3A_263, %bitcast3A : vector<16xf32>
      %add3A_289 = arith.addf %scan3A_264, %bitcast3A_287 : vector<16xf32>
      %get3A_290 = arith.constant 0 : i32
      %get3A_291 = arith.index_cast %get3A_290 : i32 to index
      %get3A_292 = arith.index_cast %scan3A_262 : i32 to index
      %get3A_293 = arith.constant 16 : index
      %get3A_294 = tpu.vector_load %arg7[%get3A_291, %get3A_292, %get3A_293] {strides = array<i32>} : memref<2x40x128xi32, #tpu.memory_space<vmem>>, vector<16xi32>,
      %gather3A_295 = tpu.vector_load_idx %arg6[%get3A_294] : memref<100000xi32, #tpu.memory_space<vmem>>[vector<16xi32>], vector<16xi32>,
      %shift_left3A_296 = arith.constant 16 : i32
      %shift_left3A_297 = vector.broadcast %shift_left3A_296 : i32 to vector<16xi32>
      %shift_left3A_298 = arith.shli %gather3A_295, %shift_left3A_297 : vector<16xi32>
      %bitcast3A_299 = vector.bitcast %shift_left3A_298 : vector<16xi32> to vector<16xf32>
      %and3A_300 = arith.constant -65536 : i32
      %and3A_301 = vector.broadcast %and3A_300 : i32 to vector<16xi32>
      %and3A_302 = arith.andi %gather3A_295, %and3A_301 : vector<16xi32>
      %bitcast3A_303 = vector.bitcast %and3A_302 : vector<16xi32> to vector<16xf32>
      %add3A_304 = arith.addf %scan3A_265, %bitcast3A_299 : vector<16xf32>
      %add3A_305 = arith.addf %scan3A_266, %bitcast3A_303 : vector<16xf32>
      %get3A_306 = arith.constant 0 : i32
      %get3A_307 = arith.index_cast %get3A_306 : i32 to index
      %get3A_308 = arith.index_cast %scan3A_262 : i32 to index
      %get3A_309 = arith.constant 32 : index
      %get3A_310 = tpu.vector_load %arg7[%get3A_307, %get3A_308, %get3A_309] {strides = array<i32>} : memref<2x40x128xi32, #tpu.memory_space<vmem>>, vector<16xi32>,
      %gather3A_311 = tpu.vector_load_idx %arg6[%get3A_310] : memref<100000xi32, #tpu.memory_space<vmem>>[vector<16xi32>], vector<16xi32>,
      %shift_left3A_312 = arith.constant 16 : i32
      %shift_left3A_313 = vector.broadcast %shift_left3A_312 : i32 to vector<16xi32>
      %shift_left3A_314 = arith.shli %gather3A_311, %shift_left3A_313 : vector<16xi32>
      %bitcast3A_315 = vector.bitcast %shift_left3A_314 : vector<16xi32> to vector<16xf32>
      %and3A_316 = arith.constant -65536 : i32
      %and3A_317 = vector.broadcast %and3A_316 : i32 to vector<16xi32>
      %and3A_318 = arith.andi %gather3A_311, %and3A_317 : vector<16xi32>
      %bitcast3A_319 = vector.bitcast %and3A_318 : vector<16xi32> to vector<16xf32>
      %add3A_320 = arith.addf %scan3A_267, %bitcast3A_315 : vector<16xf32>
      %add3A_321 = arith.addf %scan3A_268, %bitcast3A_319 : vector<16xf32>
      %get3A_322 = arith.constant 0 : i32
      %get3A_323 = arith.index_cast %get3A_322 : i32 to index
      %get3A_324 = arith.index_cast %scan3A_262 : i32 to index
      %get3A_325 = arith.constant 48 : index
      %get3A_326 = tpu.vector_load %arg7[%get3A_323, %get3A_324, %get3A_325] {strides = array<i32>} : memref<2x40x128xi32, #tpu.memory_space<vmem>>, vector<16xi32>,
      %gather3A_327 = tpu.vector_load_idx %arg6[%get3A_326] : memref<100000xi32, #tpu.memory_space<vmem>>[vector<16xi32>], vector<16xi32>,
      %shift_left3A_328 = arith.constant 16 : i32
      %shift_left3A_329 = vector.broadcast %shift_left3A_328 : i32 to vector<16xi32>
      %shift_left3A_330 = arith.shli %gather3A_327, %shift_left3A_329 : vector<16xi32>
      %bitcast3A_331 = vector.bitcast %shift_left3A_330 : vector<16xi32> to vector<16xf32>
      %and3A_332 = arith.constant -65536 : i32
      %and3A_333 = vector.broadcast %and3A_332 : i32 to vector<16xi32>
      %and3A_334 = arith.andi %gather3A_327, %and3A_333 : vector<16xi32>
      %bitcast3A_335 = vector.bitcast %and3A_334 : vector<16xi32> to vector<16xf32>
      %add3A_336 = arith.addf %scan3A_269, %bitcast3A_331 : vector<16xf32>
      %add3A_337 = arith.addf %scan3A_270, %bitcast3A_335 : vector<16xf32>
      %get3A_338 = arith.constant 0 : i32
      %get3A_339 = arith.index_cast %get3A_338 : i32 to index
      %get3A_340 = arith.index_cast %scan3A_262 : i32 to index
      %get3A_341 = arith.constant 64 : index
      %get3A_342 = tpu.vector_load %arg7[%get3A_339, %get3A_340, %get3A_341] {strides = array<i32>} : memref<2x40x128xi32, #tpu.memory_space<vmem>>, vector<16xi32>,
      %gather3A_343 = tpu.vector_load_idx %arg6[%get3A_342] : memref<100000xi32, #tpu.memory_space<vmem>>[vector<16xi32>], vector<16xi32>,
      %shift_left3A_344 = arith.constant 16 : i32
      %shift_left3A_345 = vector.broadcast %shift_left3A_344 : i32 to vector<16xi32>
      %shift_left3A_346 = arith.shli %gather3A_343, %shift_left3A_345 : vector<16xi32>
      %bitcast3A_347 = vector.bitcast %shift_left3A_346 : vector<16xi32> to vector<16xf32>
      %and3A_348 = arith.constant -65536 : i32
      %and3A_349 = vector.broadcast %and3A_348 : i32 to vector<16xi32>
      %and3A_350 = arith.andi %gather3A_343, %and3A_349 : vector<16xi32>
      %bitcast3A_351 = vector.bitcast %and3A_350 : vector<16xi32> to vector<16xf32>
      %add3A_352 = arith.addf %scan3A_271, %bitcast3A_347 : vector<16xf32>
      %add3A_353 = arith.addf %scan3A_272, %bitcast3A_351 : vector<16xf32>
      %get3A_354 = arith.constant 0 : i32
      %get3A_355 = arith.index_cast %get3A_354 : i32 to index
      %get3A_356 = arith.index_cast %scan3A_262 : i32 to index
      %get3A_357 = arith.constant 80 : index
      %get3A_358 = tpu.vector_load %arg7[%get3A_355, %get3A_356, %get3A_357] {strides = array<i32>} : memref<2x40x128xi32, #tpu.memory_space<vmem>>, vector<16xi32>,
      %gather3A_359 = tpu.vector_load_idx %arg6[%get3A_358] : memref<100000xi32, #tpu.memory_space<vmem>>[vector<16xi32>], vector<16xi32>,
      %shift_left3A_360 = arith.constant 16 : i32
      %shift_left3A_361 = vector.broadcast %shift_left3A_360 : i32 to vector<16xi32>
      %shift_left3A_362 = arith.shli %gather3A_359, %shift_left3A_361 : vector<16xi32>
      %bitcast3A_363 = vector.bitcast %shift_left3A_362 : vector<16xi32> to vector<16xf32>
      %and3A_364 = arith.constant -65536 : i32
      %and3A_365 = vector.broadcast %and3A_364 : i32 to vector<16xi32>
      %and3A_366 = arith.andi %gather3A_359, %and3A_365 : vector<16xi32>
      %bitcast3A_367 = vector.bitcast %and3A_366 : vector<16xi32> to vector<16xf32>
      %add3A_368 = arith.addf %scan3A_273, %bitcast3A_363 : vector<16xf32>
      %add3A_369 = arith.addf %scan3A_274, %bitcast3A_367 : vector<16xf32>
      %get3A_370 = arith.constant 0 : i32
      %get3A_371 = arith.index_cast %get3A_370 : i32 to index
      %get3A_372 = arith.index_cast %scan3A_262 : i32 to index
      %get3A_373 = arith.constant 96 : index
      %get3A_374 = tpu.vector_load %arg7[%get3A_371, %get3A_372, %get3A_373] {strides = array<i32>} : memref<2x40x128xi32, #tpu.memory_space<vmem>>, vector<16xi32>,
      %gather3A_375 = tpu.vector_load_idx %arg6[%get3A_374] : memref<100000xi32, #tpu.memory_space<vmem>>[vector<16xi32>], vector<16xi32>,
      %shift_left3A_376 = arith.constant 16 : i32
      %shift_left3A_377 = vector.broadcast %shift_left3A_376 : i32 to vector<16xi32>
      %shift_left3A_378 = arith.shli %gather3A_375, %shift_left3A_377 : vector<16xi32>
      %bitcast3A_379 = vector.bitcast %shift_left3A_378 : vector<16xi32> to vector<16xf32>
      %and3A_380 = arith.constant -65536 : i32
      %and3A_381 = vector.broadcast %and3A_380 : i32 to vector<16xi32>
      %and3A_382 = arith.andi %gather3A_375, %and3A_381 : vector<16xi32>
      %bitcast3A_383 = vector.bitcast %and3A_382 : vector<16xi32> to vector<16xf32>
      %add3A_384 = arith.addf %scan3A_275, %bitcast3A_379 : vector<16xf32>
      %add3A_385 = arith.addf %scan3A_276, %bitcast3A_383 : vector<16xf32>
      %get3A_386 = arith.constant 0 : i32
      %get3A_387 = arith.index_cast %get3A_386 : i32 to index
      %get3A_388 = arith.index_cast %scan3A_262 : i32 to index
      %get3A_389 = arith.constant 112 : index
      %get3A_390 = tpu.vector_load %arg7[%get3A_387, %get3A_388, %get3A_389] {strides = array<i32>} : memref<2x40x128xi32, #tpu.memory_space<vmem>>, vector<16xi32>,
      %gather3A_391 = tpu.vector_load_idx %arg6[%get3A_390] : memref<100000xi32, #tpu.memory_space<vmem>>[vector<16xi32>], vector<16xi32>,
      %shift_left3A_392 = arith.constant 16 : i32
      %shift_left3A_393 = vector.broadcast %shift_left3A_392 : i32 to vector<16xi32>
      %shift_left3A_394 = arith.shli %gather3A_391, %shift_left3A_393 : vector<16xi32>
      %bitcast3A_395 = vector.bitcast %shift_left3A_394 : vector<16xi32> to vector<16xf32>
      %and3A_396 = arith.constant -65536 : i32
      %and3A_397 = vector.broadcast %and3A_396 : i32 to vector<16xi32>
      %and3A_398 = arith.andi %gather3A_391, %and3A_397 : vector<16xi32>
      %bitcast3A_399 = vector.bitcast %and3A_398 : vector<16xi32> to vector<16xf32>
      %add3A_400 = arith.addf %scan3A_277, %bitcast3A_395 : vector<16xf32>
      %add3A_401 = arith.addf %scan3A_278, %bitcast3A_399 : vector<16xf32>
      scf.yield %add3A_288, %add3A_289, %add3A_304, %add3A_305, %add3A_320, %add3A_321, %add3A_336, %add3A_337, %add3A_352, %add3A_353, %add3A_368, %add3A_369, %add3A_384, %add3A_385, %add3A_400, %add3A_401 : vector<16xf32>, vector<16xf32>, vector<16xf32>, vector<16xf32>, vector<16xf32>, vector<16xf32>, vector<16xf32>, vector<16xf32>, vector<16xf32>, vector<16xf32>, vector<16xf32>, vector<16xf32>, vector<16xf32>, vector<16xf32>, vector<16xf32>, vector<16xf32>
    }
    %scan3A_111 = arith.constant 40 : i32
    %dma_start3A_112 = arith.constant 0 : i32
    %dma_start3A_113 = arith.constant 0 : i32
    %dma_start3A_114 = arith.constant 0 : i32
    %dma_start3A_115 = tpu.memref_slice %arg7[%dma_start3A_112, %dma_start3A_113, %dma_start3A_114] : memref<2x40x128xi32, #tpu.memory_space<vmem>> -> memref<1x40x128xi32, #tpu.memory_space<vmem>>
    %dma_start3A_116 = tpu.memref_squeeze %dma_start3A_115 : memref<1x40x128xi32, #tpu.memory_space<vmem>> -> memref<40x128xi32, #tpu.memory_space<vmem>>
    %dma_start3A_117 = arith.constant 160 : i32
    %dma_start3A_118 = tpu.memref_slice %arg3[%dma_start3A_117, %mul3A_2] : memref<200x4096xi32, #tpu.memory_space<hbm>> -> memref<40x128xi32, #tpu.memory_space<hbm>>
    %dma_start3A_119 = arith.constant 0 : i32
    %dma_start3A_120 = arith.constant 0 : i32
    %dma_start3A_121 = tpu.memref_slice %arg7[%dma_start3A_112, %dma_start3A_119, %dma_start3A_120] : memref<2x40x128xi32, #tpu.memory_space<vmem>> -> memref<1x40x128xi32, #tpu.memory_space<vmem>>
    %dma_start3A_122 = tpu.memref_squeeze %dma_start3A_121 : memref<1x40x128xi32, #tpu.memory_space<vmem>> -> memref<40x128xi32, #tpu.memory_space<vmem>>
    %dma_start3A_123 = arith.constant 160 : i32
    %dma_start3A_124 = tpu.memref_slice %arg3[%dma_start3A_123, %mul3A_2] : memref<200x4096xi32, #tpu.memory_space<hbm>> -> memref<40x128xi32, #tpu.memory_space<hbm>>
    tpu.enqueue_dma source(%dma_start3A_124 : memref<40x128xi32, #tpu.memory_space<hbm>>) target(%dma_start3A_122 : memref<40x128xi32, #tpu.memory_space<vmem>>) target_semaphore(%arg11 : memref<!tpu.dma_semaphore, #tpu.memory_space<semaphore_mem>>)
    %dma_wait3A_125 = arith.constant 1 : i32
    %dma_wait3A_126 = arith.constant 0 : i32
    %dma_wait3A_127 = arith.constant 0 : i32
    %dma_wait3A_128 = tpu.memref_slice %arg7[%dma_wait3A_125, %dma_wait3A_126, %dma_wait3A_127] : memref<2x40x128xi32, #tpu.memory_space<vmem>> -> memref<1x40x128xi32, #tpu.memory_space<vmem>>
    %dma_wait3A_129 = tpu.memref_squeeze %dma_wait3A_128 : memref<1x40x128xi32, #tpu.memory_space<vmem>> -> memref<40x128xi32, #tpu.memory_space<vmem>>
    %dma_wait3A_130 = arith.constant 120 : i32
    %dma_wait3A_131 = tpu.memref_slice %arg3[%dma_wait3A_130, %mul3A_2] : memref<200x4096xi32, #tpu.memory_space<hbm>> -> memref<40x128xi32, #tpu.memory_space<hbm>>
    %dma_wait3A_132 = arith.constant 0 : i32
    %dma_wait3A_133 = arith.constant 0 : i32
    %dma_wait3A_134 = tpu.memref_slice %arg7[%dma_wait3A_125, %dma_wait3A_132, %dma_wait3A_133] : memref<2x40x128xi32, #tpu.memory_space<vmem>> -> memref<1x40x128xi32, #tpu.memory_space<vmem>>
    %dma_wait3A_135 = tpu.memref_squeeze %dma_wait3A_134 : memref<1x40x128xi32, #tpu.memory_space<vmem>> -> memref<40x128xi32, #tpu.memory_space<vmem>>
    %dma_wait3A_136 = arith.constant 120 : i32
    %dma_wait3A_137 = tpu.memref_slice %arg3[%dma_wait3A_136, %mul3A_2] : memref<200x4096xi32, #tpu.memory_space<hbm>> -> memref<40x128xi32, #tpu.memory_space<hbm>>
    tpu.wait_dma2 semaphore(%arg12 : memref<!tpu.dma_semaphore, #tpu.memory_space<semaphore_mem>>) src(%dma_wait3A_137 : memref<40x128xi32, #tpu.memory_space<hbm>>) dst(%dma_wait3A_135 : memref<40x128xi32, #tpu.memory_space<vmem>>)
    %scan3A_138 = arith.constant 0 : i32
    %scan3A_139 = arith.constant 40 : i32
    %scan3A_140 = arith.addi %scan3A_138, %scan3A_139 : i32
    %scan3A_141 = arith.constant 1 : i32
    %scan3A_142:16 = scf.for %scan3A_262 = %scan3A_138 to %scan3A_140 step %scan3A_141 iter_args(%scan3A_263 = %scan3A_110#0, %scan3A_264 = %scan3A_110#1, %scan3A_265 = %scan3A_110#2, %scan3A_266 = %scan3A_110#3, %scan3A_267 = %scan3A_110#4, %scan3A_268 = %scan3A_110#5, %scan3A_269 = %scan3A_110#6, %scan3A_270 = %scan3A_110#7, %scan3A_271 = %scan3A_110#8, %scan3A_272 = %scan3A_110#9, %scan3A_273 = %scan3A_110#10, %scan3A_274 = %scan3A_110#11, %scan3A_275 = %scan3A_110#12, %scan3A_276 = %scan3A_110#13, %scan3A_277 = %scan3A_110#14, %scan3A_278 = %scan3A_110#15) -> (vector<16xf32>, vector<16xf32>, vector<16xf32>, vector<16xf32>, vector<16xf32>, vector<16xf32>, vector<16xf32>, vector<16xf32>, vector<16xf32>, vector<16xf32>, vector<16xf32>, vector<16xf32>, vector<16xf32>, vector<16xf32>, vector<16xf32>, vector<16xf32>)  : i32 {
      %get3A = arith.constant 1 : i32
      %get3A_279 = arith.index_cast %get3A : i32 to index
      %get3A_280 = arith.index_cast %scan3A_262 : i32 to index
      %get3A_281 = arith.constant 0 : index
      %get3A_282 = tpu.vector_load %arg7[%get3A_279, %get3A_280, %get3A_281] {strides = array<i32>} : memref<2x40x128xi32, #tpu.memory_space<vmem>>, vector<16xi32>,
      %gather3A = tpu.vector_load_idx %arg6[%get3A_282] : memref<100000xi32, #tpu.memory_space<vmem>>[vector<16xi32>], vector<16xi32>,
      %shift_left3A = arith.constant 16 : i32
      %shift_left3A_283 = vector.broadcast %shift_left3A : i32 to vector<16xi32>
      %shift_left3A_284 = arith.shli %gather3A, %shift_left3A_283 : vector<16xi32>
      %bitcast3A = vector.bitcast %shift_left3A_284 : vector<16xi32> to vector<16xf32>
      %and3A = arith.constant -65536 : i32
      %and3A_285 = vector.broadcast %and3A : i32 to vector<16xi32>
      %and3A_286 = arith.andi %gather3A, %and3A_285 : vector<16xi32>
      %bitcast3A_287 = vector.bitcast %and3A_286 : vector<16xi32> to vector<16xf32>
      %add3A_288 = arith.addf %scan3A_263, %bitcast3A : vector<16xf32>
      %add3A_289 = arith.addf %scan3A_264, %bitcast3A_287 : vector<16xf32>
      %get3A_290 = arith.constant 1 : i32
      %get3A_291 = arith.index_cast %get3A_290 : i32 to index
      %get3A_292 = arith.index_cast %scan3A_262 : i32 to index
      %get3A_293 = arith.constant 16 : index
      %get3A_294 = tpu.vector_load %arg7[%get3A_291, %get3A_292, %get3A_293] {strides = array<i32>} : memref<2x40x128xi32, #tpu.memory_space<vmem>>, vector<16xi32>,
      %gather3A_295 = tpu.vector_load_idx %arg6[%get3A_294] : memref<100000xi32, #tpu.memory_space<vmem>>[vector<16xi32>], vector<16xi32>,
      %shift_left3A_296 = arith.constant 16 : i32
      %shift_left3A_297 = vector.broadcast %shift_left3A_296 : i32 to vector<16xi32>
      %shift_left3A_298 = arith.shli %gather3A_295, %shift_left3A_297 : vector<16xi32>
      %bitcast3A_299 = vector.bitcast %shift_left3A_298 : vector<16xi32> to vector<16xf32>
      %and3A_300 = arith.constant -65536 : i32
      %and3A_301 = vector.broadcast %and3A_300 : i32 to vector<16xi32>
      %and3A_302 = arith.andi %gather3A_295, %and3A_301 : vector<16xi32>
      %bitcast3A_303 = vector.bitcast %and3A_302 : vector<16xi32> to vector<16xf32>
      %add3A_304 = arith.addf %scan3A_265, %bitcast3A_299 : vector<16xf32>
      %add3A_305 = arith.addf %scan3A_266, %bitcast3A_303 : vector<16xf32>
      %get3A_306 = arith.constant 1 : i32
      %get3A_307 = arith.index_cast %get3A_306 : i32 to index
      %get3A_308 = arith.index_cast %scan3A_262 : i32 to index
      %get3A_309 = arith.constant 32 : index
      %get3A_310 = tpu.vector_load %arg7[%get3A_307, %get3A_308, %get3A_309] {strides = array<i32>} : memref<2x40x128xi32, #tpu.memory_space<vmem>>, vector<16xi32>,
      %gather3A_311 = tpu.vector_load_idx %arg6[%get3A_310] : memref<100000xi32, #tpu.memory_space<vmem>>[vector<16xi32>], vector<16xi32>,
      %shift_left3A_312 = arith.constant 16 : i32
      %shift_left3A_313 = vector.broadcast %shift_left3A_312 : i32 to vector<16xi32>
      %shift_left3A_314 = arith.shli %gather3A_311, %shift_left3A_313 : vector<16xi32>
      %bitcast3A_315 = vector.bitcast %shift_left3A_314 : vector<16xi32> to vector<16xf32>
      %and3A_316 = arith.constant -65536 : i32
      %and3A_317 = vector.broadcast %and3A_316 : i32 to vector<16xi32>
      %and3A_318 = arith.andi %gather3A_311, %and3A_317 : vector<16xi32>
      %bitcast3A_319 = vector.bitcast %and3A_318 : vector<16xi32> to vector<16xf32>
      %add3A_320 = arith.addf %scan3A_267, %bitcast3A_315 : vector<16xf32>
      %add3A_321 = arith.addf %scan3A_268, %bitcast3A_319 : vector<16xf32>
      %get3A_322 = arith.constant 1 : i32
      %get3A_323 = arith.index_cast %get3A_322 : i32 to index
      %get3A_324 = arith.index_cast %scan3A_262 : i32 to index
      %get3A_325 = arith.constant 48 : index
      %get3A_326 = tpu.vector_load %arg7[%get3A_323, %get3A_324, %get3A_325] {strides = array<i32>} : memref<2x40x128xi32, #tpu.memory_space<vmem>>, vector<16xi32>,
      %gather3A_327 = tpu.vector_load_idx %arg6[%get3A_326] : memref<100000xi32, #tpu.memory_space<vmem>>[vector<16xi32>], vector<16xi32>,
      %shift_left3A_328 = arith.constant 16 : i32
      %shift_left3A_329 = vector.broadcast %shift_left3A_328 : i32 to vector<16xi32>
      %shift_left3A_330 = arith.shli %gather3A_327, %shift_left3A_329 : vector<16xi32>
      %bitcast3A_331 = vector.bitcast %shift_left3A_330 : vector<16xi32> to vector<16xf32>
      %and3A_332 = arith.constant -65536 : i32
      %and3A_333 = vector.broadcast %and3A_332 : i32 to vector<16xi32>
      %and3A_334 = arith.andi %gather3A_327, %and3A_333 : vector<16xi32>
      %bitcast3A_335 = vector.bitcast %and3A_334 : vector<16xi32> to vector<16xf32>
      %add3A_336 = arith.addf %scan3A_269, %bitcast3A_331 : vector<16xf32>
      %add3A_337 = arith.addf %scan3A_270, %bitcast3A_335 : vector<16xf32>
      %get3A_338 = arith.constant 1 : i32
      %get3A_339 = arith.index_cast %get3A_338 : i32 to index
      %get3A_340 = arith.index_cast %scan3A_262 : i32 to index
      %get3A_341 = arith.constant 64 : index
      %get3A_342 = tpu.vector_load %arg7[%get3A_339, %get3A_340, %get3A_341] {strides = array<i32>} : memref<2x40x128xi32, #tpu.memory_space<vmem>>, vector<16xi32>,
      %gather3A_343 = tpu.vector_load_idx %arg6[%get3A_342] : memref<100000xi32, #tpu.memory_space<vmem>>[vector<16xi32>], vector<16xi32>,
      %shift_left3A_344 = arith.constant 16 : i32
      %shift_left3A_345 = vector.broadcast %shift_left3A_344 : i32 to vector<16xi32>
      %shift_left3A_346 = arith.shli %gather3A_343, %shift_left3A_345 : vector<16xi32>
      %bitcast3A_347 = vector.bitcast %shift_left3A_346 : vector<16xi32> to vector<16xf32>
      %and3A_348 = arith.constant -65536 : i32
      %and3A_349 = vector.broadcast %and3A_348 : i32 to vector<16xi32>
      %and3A_350 = arith.andi %gather3A_343, %and3A_349 : vector<16xi32>
      %bitcast3A_351 = vector.bitcast %and3A_350 : vector<16xi32> to vector<16xf32>
      %add3A_352 = arith.addf %scan3A_271, %bitcast3A_347 : vector<16xf32>
      %add3A_353 = arith.addf %scan3A_272, %bitcast3A_351 : vector<16xf32>
      %get3A_354 = arith.constant 1 : i32
      %get3A_355 = arith.index_cast %get3A_354 : i32 to index
      %get3A_356 = arith.index_cast %scan3A_262 : i32 to index
      %get3A_357 = arith.constant 80 : index
      %get3A_358 = tpu.vector_load %arg7[%get3A_355, %get3A_356, %get3A_357] {strides = array<i32>} : memref<2x40x128xi32, #tpu.memory_space<vmem>>, vector<16xi32>,
      %gather3A_359 = tpu.vector_load_idx %arg6[%get3A_358] : memref<100000xi32, #tpu.memory_space<vmem>>[vector<16xi32>], vector<16xi32>,
      %shift_left3A_360 = arith.constant 16 : i32
      %shift_left3A_361 = vector.broadcast %shift_left3A_360 : i32 to vector<16xi32>
      %shift_left3A_362 = arith.shli %gather3A_359, %shift_left3A_361 : vector<16xi32>
      %bitcast3A_363 = vector.bitcast %shift_left3A_362 : vector<16xi32> to vector<16xf32>
      %and3A_364 = arith.constant -65536 : i32
      %and3A_365 = vector.broadcast %and3A_364 : i32 to vector<16xi32>
      %and3A_366 = arith.andi %gather3A_359, %and3A_365 : vector<16xi32>
      %bitcast3A_367 = vector.bitcast %and3A_366 : vector<16xi32> to vector<16xf32>
      %add3A_368 = arith.addf %scan3A_273, %bitcast3A_363 : vector<16xf32>
      %add3A_369 = arith.addf %scan3A_274, %bitcast3A_367 : vector<16xf32>
      %get3A_370 = arith.constant 1 : i32
      %get3A_371 = arith.index_cast %get3A_370 : i32 to index
      %get3A_372 = arith.index_cast %scan3A_262 : i32 to index
      %get3A_373 = arith.constant 96 : index
      %get3A_374 = tpu.vector_load %arg7[%get3A_371, %get3A_372, %get3A_373] {strides = array<i32>} : memref<2x40x128xi32, #tpu.memory_space<vmem>>, vector<16xi32>,
      %gather3A_375 = tpu.vector_load_idx %arg6[%get3A_374] : memref<100000xi32, #tpu.memory_space<vmem>>[vector<16xi32>], vector<16xi32>,
      %shift_left3A_376 = arith.constant 16 : i32
      %shift_left3A_377 = vector.broadcast %shift_left3A_376 : i32 to vector<16xi32>
      %shift_left3A_378 = arith.shli %gather3A_375, %shift_left3A_377 : vector<16xi32>
      %bitcast3A_379 = vector.bitcast %shift_left3A_378 : vector<16xi32> to vector<16xf32>
      %and3A_380 = arith.constant -65536 : i32
      %and3A_381 = vector.broadcast %and3A_380 : i32 to vector<16xi32>
      %and3A_382 = arith.andi %gather3A_375, %and3A_381 : vector<16xi32>
      %bitcast3A_383 = vector.bitcast %and3A_382 : vector<16xi32> to vector<16xf32>
      %add3A_384 = arith.addf %scan3A_275, %bitcast3A_379 : vector<16xf32>
      %add3A_385 = arith.addf %scan3A_276, %bitcast3A_383 : vector<16xf32>
      %get3A_386 = arith.constant 1 : i32
      %get3A_387 = arith.index_cast %get3A_386 : i32 to index
      %get3A_388 = arith.index_cast %scan3A_262 : i32 to index
      %get3A_389 = arith.constant 112 : index
      %get3A_390 = tpu.vector_load %arg7[%get3A_387, %get3A_388, %get3A_389] {strides = array<i32>} : memref<2x40x128xi32, #tpu.memory_space<vmem>>, vector<16xi32>,
      %gather3A_391 = tpu.vector_load_idx %arg6[%get3A_390] : memref<100000xi32, #tpu.memory_space<vmem>>[vector<16xi32>], vector<16xi32>,
      %shift_left3A_392 = arith.constant 16 : i32
      %shift_left3A_393 = vector.broadcast %shift_left3A_392 : i32 to vector<16xi32>
      %shift_left3A_394 = arith.shli %gather3A_391, %shift_left3A_393 : vector<16xi32>
      %bitcast3A_395 = vector.bitcast %shift_left3A_394 : vector<16xi32> to vector<16xf32>
      %and3A_396 = arith.constant -65536 : i32
      %and3A_397 = vector.broadcast %and3A_396 : i32 to vector<16xi32>
      %and3A_398 = arith.andi %gather3A_391, %and3A_397 : vector<16xi32>
      %bitcast3A_399 = vector.bitcast %and3A_398 : vector<16xi32> to vector<16xf32>
      %add3A_400 = arith.addf %scan3A_277, %bitcast3A_395 : vector<16xf32>
      %add3A_401 = arith.addf %scan3A_278, %bitcast3A_399 : vector<16xf32>
      scf.yield %add3A_288, %add3A_289, %add3A_304, %add3A_305, %add3A_320, %add3A_321, %add3A_336, %add3A_337, %add3A_352, %add3A_353, %add3A_368, %add3A_369, %add3A_384, %add3A_385, %add3A_400, %add3A_401 : vector<16xf32>, vector<16xf32>, vector<16xf32>, vector<16xf32>, vector<16xf32>, vector<16xf32>, vector<16xf32>, vector<16xf32>, vector<16xf32>, vector<16xf32>, vector<16xf32>, vector<16xf32>, vector<16xf32>, vector<16xf32>, vector<16xf32>, vector<16xf32>
    }
    %scan3A_143 = arith.constant 40 : i32
    %dma_wait3A_144 = arith.constant 0 : i32
    %dma_wait3A_145 = arith.constant 0 : i32
    %dma_wait3A_146 = arith.constant 0 : i32
    %dma_wait3A_147 = tpu.memref_slice %arg7[%dma_wait3A_144, %dma_wait3A_145, %dma_wait3A_146] : memref<2x40x128xi32, #tpu.memory_space<vmem>> -> memref<1x40x128xi32, #tpu.memory_space<vmem>>
    %dma_wait3A_148 = tpu.memref_squeeze %dma_wait3A_147 : memref<1x40x128xi32, #tpu.memory_space<vmem>> -> memref<40x128xi32, #tpu.memory_space<vmem>>
    %dma_wait3A_149 = arith.constant 160 : i32
    %dma_wait3A_150 = tpu.memref_slice %arg3[%dma_wait3A_149, %mul3A_2] : memref<200x4096xi32, #tpu.memory_space<hbm>> -> memref<40x128xi32, #tpu.memory_space<hbm>>
    %dma_wait3A_151 = arith.constant 0 : i32
    %dma_wait3A_152 = arith.constant 0 : i32
    %dma_wait3A_153 = tpu.memref_slice %arg7[%dma_wait3A_144, %dma_wait3A_151, %dma_wait3A_152] : memref<2x40x128xi32, #tpu.memory_space<vmem>> -> memref<1x40x128xi32, #tpu.memory_space<vmem>>
    %dma_wait3A_154 = tpu.memref_squeeze %dma_wait3A_153 : memref<1x40x128xi32, #tpu.memory_space<vmem>> -> memref<40x128xi32, #tpu.memory_space<vmem>>
    %dma_wait3A_155 = arith.constant 160 : i32
    %dma_wait3A_156 = tpu.memref_slice %arg3[%dma_wait3A_155, %mul3A_2] : memref<200x4096xi32, #tpu.memory_space<hbm>> -> memref<40x128xi32, #tpu.memory_space<hbm>>
    tpu.wait_dma2 semaphore(%arg11 : memref<!tpu.dma_semaphore, #tpu.memory_space<semaphore_mem>>) src(%dma_wait3A_156 : memref<40x128xi32, #tpu.memory_space<hbm>>) dst(%dma_wait3A_154 : memref<40x128xi32, #tpu.memory_space<vmem>>)
    %scan3A_157 = arith.constant 0 : i32
    %scan3A_158 = arith.constant 40 : i32
    %scan3A_159 = arith.addi %scan3A_157, %scan3A_158 : i32
    %scan3A_160 = arith.constant 1 : i32
    %scan3A_161:16 = scf.for %scan3A_262 = %scan3A_157 to %scan3A_159 step %scan3A_160 iter_args(%scan3A_263 = %scan3A_142#0, %scan3A_264 = %scan3A_142#1, %scan3A_265 = %scan3A_142#2, %scan3A_266 = %scan3A_142#3, %scan3A_267 = %scan3A_142#4, %scan3A_268 = %scan3A_142#5, %scan3A_269 = %scan3A_142#6, %scan3A_270 = %scan3A_142#7, %scan3A_271 = %scan3A_142#8, %scan3A_272 = %scan3A_142#9, %scan3A_273 = %scan3A_142#10, %scan3A_274 = %scan3A_142#11, %scan3A_275 = %scan3A_142#12, %scan3A_276 = %scan3A_142#13, %scan3A_277 = %scan3A_142#14, %scan3A_278 = %scan3A_142#15) -> (vector<16xf32>, vector<16xf32>, vector<16xf32>, vector<16xf32>, vector<16xf32>, vector<16xf32>, vector<16xf32>, vector<16xf32>, vector<16xf32>, vector<16xf32>, vector<16xf32>, vector<16xf32>, vector<16xf32>, vector<16xf32>, vector<16xf32>, vector<16xf32>)  : i32 {
      %get3A = arith.constant 0 : i32
      %get3A_279 = arith.index_cast %get3A : i32 to index
      %get3A_280 = arith.index_cast %scan3A_262 : i32 to index
      %get3A_281 = arith.constant 0 : index
      %get3A_282 = tpu.vector_load %arg7[%get3A_279, %get3A_280, %get3A_281] {strides = array<i32>} : memref<2x40x128xi32, #tpu.memory_space<vmem>>, vector<16xi32>,
      %gather3A = tpu.vector_load_idx %arg6[%get3A_282] : memref<100000xi32, #tpu.memory_space<vmem>>[vector<16xi32>], vector<16xi32>,
      %shift_left3A = arith.constant 16 : i32
      %shift_left3A_283 = vector.broadcast %shift_left3A : i32 to vector<16xi32>
      %shift_left3A_284 = arith.shli %gather3A, %shift_left3A_283 : vector<16xi32>
      %bitcast3A = vector.bitcast %shift_left3A_284 : vector<16xi32> to vector<16xf32>
      %and3A = arith.constant -65536 : i32
      %and3A_285 = vector.broadcast %and3A : i32 to vector<16xi32>
      %and3A_286 = arith.andi %gather3A, %and3A_285 : vector<16xi32>
      %bitcast3A_287 = vector.bitcast %and3A_286 : vector<16xi32> to vector<16xf32>
      %add3A_288 = arith.addf %scan3A_263, %bitcast3A : vector<16xf32>
      %add3A_289 = arith.addf %scan3A_264, %bitcast3A_287 : vector<16xf32>
      %get3A_290 = arith.constant 0 : i32
      %get3A_291 = arith.index_cast %get3A_290 : i32 to index
      %get3A_292 = arith.index_cast %scan3A_262 : i32 to index
      %get3A_293 = arith.constant 16 : index
      %get3A_294 = tpu.vector_load %arg7[%get3A_291, %get3A_292, %get3A_293] {strides = array<i32>} : memref<2x40x128xi32, #tpu.memory_space<vmem>>, vector<16xi32>,
      %gather3A_295 = tpu.vector_load_idx %arg6[%get3A_294] : memref<100000xi32, #tpu.memory_space<vmem>>[vector<16xi32>], vector<16xi32>,
      %shift_left3A_296 = arith.constant 16 : i32
      %shift_left3A_297 = vector.broadcast %shift_left3A_296 : i32 to vector<16xi32>
      %shift_left3A_298 = arith.shli %gather3A_295, %shift_left3A_297 : vector<16xi32>
      %bitcast3A_299 = vector.bitcast %shift_left3A_298 : vector<16xi32> to vector<16xf32>
      %and3A_300 = arith.constant -65536 : i32
      %and3A_301 = vector.broadcast %and3A_300 : i32 to vector<16xi32>
      %and3A_302 = arith.andi %gather3A_295, %and3A_301 : vector<16xi32>
      %bitcast3A_303 = vector.bitcast %and3A_302 : vector<16xi32> to vector<16xf32>
      %add3A_304 = arith.addf %scan3A_265, %bitcast3A_299 : vector<16xf32>
      %add3A_305 = arith.addf %scan3A_266, %bitcast3A_303 : vector<16xf32>
      %get3A_306 = arith.constant 0 : i32
      %get3A_307 = arith.index_cast %get3A_306 : i32 to index
      %get3A_308 = arith.index_cast %scan3A_262 : i32 to index
      %get3A_309 = arith.constant 32 : index
      %get3A_310 = tpu.vector_load %arg7[%get3A_307, %get3A_308, %get3A_309] {strides = array<i32>} : memref<2x40x128xi32, #tpu.memory_space<vmem>>, vector<16xi32>,
      %gather3A_311 = tpu.vector_load_idx %arg6[%get3A_310] : memref<100000xi32, #tpu.memory_space<vmem>>[vector<16xi32>], vector<16xi32>,
      %shift_left3A_312 = arith.constant 16 : i32
      %shift_left3A_313 = vector.broadcast %shift_left3A_312 : i32 to vector<16xi32>
      %shift_left3A_314 = arith.shli %gather3A_311, %shift_left3A_313 : vector<16xi32>
      %bitcast3A_315 = vector.bitcast %shift_left3A_314 : vector<16xi32> to vector<16xf32>
      %and3A_316 = arith.constant -65536 : i32
      %and3A_317 = vector.broadcast %and3A_316 : i32 to vector<16xi32>
      %and3A_318 = arith.andi %gather3A_311, %and3A_317 : vector<16xi32>
      %bitcast3A_319 = vector.bitcast %and3A_318 : vector<16xi32> to vector<16xf32>
      %add3A_320 = arith.addf %scan3A_267, %bitcast3A_315 : vector<16xf32>
      %add3A_321 = arith.addf %scan3A_268, %bitcast3A_319 : vector<16xf32>
      %get3A_322 = arith.constant 0 : i32
      %get3A_323 = arith.index_cast %get3A_322 : i32 to index
      %get3A_324 = arith.index_cast %scan3A_262 : i32 to index
      %get3A_325 = arith.constant 48 : index
      %get3A_326 = tpu.vector_load %arg7[%get3A_323, %get3A_324, %get3A_325] {strides = array<i32>} : memref<2x40x128xi32, #tpu.memory_space<vmem>>, vector<16xi32>,
      %gather3A_327 = tpu.vector_load_idx %arg6[%get3A_326] : memref<100000xi32, #tpu.memory_space<vmem>>[vector<16xi32>], vector<16xi32>,
      %shift_left3A_328 = arith.constant 16 : i32
      %shift_left3A_329 = vector.broadcast %shift_left3A_328 : i32 to vector<16xi32>
      %shift_left3A_330 = arith.shli %gather3A_327, %shift_left3A_329 : vector<16xi32>
      %bitcast3A_331 = vector.bitcast %shift_left3A_330 : vector<16xi32> to vector<16xf32>
      %and3A_332 = arith.constant -65536 : i32
      %and3A_333 = vector.broadcast %and3A_332 : i32 to vector<16xi32>
      %and3A_334 = arith.andi %gather3A_327, %and3A_333 : vector<16xi32>
      %bitcast3A_335 = vector.bitcast %and3A_334 : vector<16xi32> to vector<16xf32>
      %add3A_336 = arith.addf %scan3A_269, %bitcast3A_331 : vector<16xf32>
      %add3A_337 = arith.addf %scan3A_270, %bitcast3A_335 : vector<16xf32>
      %get3A_338 = arith.constant 0 : i32
      %get3A_339 = arith.index_cast %get3A_338 : i32 to index
      %get3A_340 = arith.index_cast %scan3A_262 : i32 to index
      %get3A_341 = arith.constant 64 : index
      %get3A_342 = tpu.vector_load %arg7[%get3A_339, %get3A_340, %get3A_341] {strides = array<i32>} : memref<2x40x128xi32, #tpu.memory_space<vmem>>, vector<16xi32>,
      %gather3A_343 = tpu.vector_load_idx %arg6[%get3A_342] : memref<100000xi32, #tpu.memory_space<vmem>>[vector<16xi32>], vector<16xi32>,
      %shift_left3A_344 = arith.constant 16 : i32
      %shift_left3A_345 = vector.broadcast %shift_left3A_344 : i32 to vector<16xi32>
      %shift_left3A_346 = arith.shli %gather3A_343, %shift_left3A_345 : vector<16xi32>
      %bitcast3A_347 = vector.bitcast %shift_left3A_346 : vector<16xi32> to vector<16xf32>
      %and3A_348 = arith.constant -65536 : i32
      %and3A_349 = vector.broadcast %and3A_348 : i32 to vector<16xi32>
      %and3A_350 = arith.andi %gather3A_343, %and3A_349 : vector<16xi32>
      %bitcast3A_351 = vector.bitcast %and3A_350 : vector<16xi32> to vector<16xf32>
      %add3A_352 = arith.addf %scan3A_271, %bitcast3A_347 : vector<16xf32>
      %add3A_353 = arith.addf %scan3A_272, %bitcast3A_351 : vector<16xf32>
      %get3A_354 = arith.constant 0 : i32
      %get3A_355 = arith.index_cast %get3A_354 : i32 to index
      %get3A_356 = arith.index_cast %scan3A_262 : i32 to index
      %get3A_357 = arith.constant 80 : index
      %get3A_358 = tpu.vector_load %arg7[%get3A_355, %get3A_356, %get3A_357] {strides = array<i32>} : memref<2x40x128xi32, #tpu.memory_space<vmem>>, vector<16xi32>,
      %gather3A_359 = tpu.vector_load_idx %arg6[%get3A_358] : memref<100000xi32, #tpu.memory_space<vmem>>[vector<16xi32>], vector<16xi32>,
      %shift_left3A_360 = arith.constant 16 : i32
      %shift_left3A_361 = vector.broadcast %shift_left3A_360 : i32 to vector<16xi32>
      %shift_left3A_362 = arith.shli %gather3A_359, %shift_left3A_361 : vector<16xi32>
      %bitcast3A_363 = vector.bitcast %shift_left3A_362 : vector<16xi32> to vector<16xf32>
      %and3A_364 = arith.constant -65536 : i32
      %and3A_365 = vector.broadcast %and3A_364 : i32 to vector<16xi32>
      %and3A_366 = arith.andi %gather3A_359, %and3A_365 : vector<16xi32>
      %bitcast3A_367 = vector.bitcast %and3A_366 : vector<16xi32> to vector<16xf32>
      %add3A_368 = arith.addf %scan3A_273, %bitcast3A_363 : vector<16xf32>
      %add3A_369 = arith.addf %scan3A_274, %bitcast3A_367 : vector<16xf32>
      %get3A_370 = arith.constant 0 : i32
      %get3A_371 = arith.index_cast %get3A_370 : i32 to index
      %get3A_372 = arith.index_cast %scan3A_262 : i32 to index
      %get3A_373 = arith.constant 96 : index
      %get3A_374 = tpu.vector_load %arg7[%get3A_371, %get3A_372, %get3A_373] {strides = array<i32>} : memref<2x40x128xi32, #tpu.memory_space<vmem>>, vector<16xi32>,
      %gather3A_375 = tpu.vector_load_idx %arg6[%get3A_374] : memref<100000xi32, #tpu.memory_space<vmem>>[vector<16xi32>], vector<16xi32>,
      %shift_left3A_376 = arith.constant 16 : i32
      %shift_left3A_377 = vector.broadcast %shift_left3A_376 : i32 to vector<16xi32>
      %shift_left3A_378 = arith.shli %gather3A_375, %shift_left3A_377 : vector<16xi32>
      %bitcast3A_379 = vector.bitcast %shift_left3A_378 : vector<16xi32> to vector<16xf32>
      %and3A_380 = arith.constant -65536 : i32
      %and3A_381 = vector.broadcast %and3A_380 : i32 to vector<16xi32>
      %and3A_382 = arith.andi %gather3A_375, %and3A_381 : vector<16xi32>
      %bitcast3A_383 = vector.bitcast %and3A_382 : vector<16xi32> to vector<16xf32>
      %add3A_384 = arith.addf %scan3A_275, %bitcast3A_379 : vector<16xf32>
      %add3A_385 = arith.addf %scan3A_276, %bitcast3A_383 : vector<16xf32>
      %get3A_386 = arith.constant 0 : i32
      %get3A_387 = arith.index_cast %get3A_386 : i32 to index
      %get3A_388 = arith.index_cast %scan3A_262 : i32 to index
      %get3A_389 = arith.constant 112 : index
      %get3A_390 = tpu.vector_load %arg7[%get3A_387, %get3A_388, %get3A_389] {strides = array<i32>} : memref<2x40x128xi32, #tpu.memory_space<vmem>>, vector<16xi32>,
      %gather3A_391 = tpu.vector_load_idx %arg6[%get3A_390] : memref<100000xi32, #tpu.memory_space<vmem>>[vector<16xi32>], vector<16xi32>,
      %shift_left3A_392 = arith.constant 16 : i32
      %shift_left3A_393 = vector.broadcast %shift_left3A_392 : i32 to vector<16xi32>
      %shift_left3A_394 = arith.shli %gather3A_391, %shift_left3A_393 : vector<16xi32>
      %bitcast3A_395 = vector.bitcast %shift_left3A_394 : vector<16xi32> to vector<16xf32>
      %and3A_396 = arith.constant -65536 : i32
      %and3A_397 = vector.broadcast %and3A_396 : i32 to vector<16xi32>
      %and3A_398 = arith.andi %gather3A_391, %and3A_397 : vector<16xi32>
      %bitcast3A_399 = vector.bitcast %and3A_398 : vector<16xi32> to vector<16xf32>
      %add3A_400 = arith.addf %scan3A_277, %bitcast3A_395 : vector<16xf32>
      %add3A_401 = arith.addf %scan3A_278, %bitcast3A_399 : vector<16xf32>
      scf.yield %add3A_288, %add3A_289, %add3A_304, %add3A_305, %add3A_320, %add3A_321, %add3A_336, %add3A_337, %add3A_352, %add3A_353, %add3A_368, %add3A_369, %add3A_384, %add3A_385, %add3A_400, %add3A_401 : vector<16xf32>, vector<16xf32>, vector<16xf32>, vector<16xf32>, vector<16xf32>, vector<16xf32>, vector<16xf32>, vector<16xf32>, vector<16xf32>, vector<16xf32>, vector<16xf32>, vector<16xf32>, vector<16xf32>, vector<16xf32>, vector<16xf32>, vector<16xf32>
    }
    %scan3A_162 = arith.constant 40 : i32
    %swap3A = arith.constant 0 : i32
    %swap3A_163 = arith.index_cast %swap3A : i32 to index
    %swap3A_164 = arith.constant 0 : index
    %swap3A_165 = tpu.vector_load %arg8[%swap3A_163, %swap3A_164] {strides = array<i32>} : memref<2x128xf32, #tpu.memory_space<vmem>>, vector<16xf32>,
    tpu.vector_store %arg8[%swap3A_163, %swap3A_164], %scan3A_161#0 {strides = array<i32>} : memref<2x128xf32, #tpu.memory_space<vmem>>, vector<16xf32>,
    %swap3A_166 = arith.constant 1 : i32
    %swap3A_167 = arith.index_cast %swap3A_166 : i32 to index
    %swap3A_168 = arith.constant 0 : index
    %swap3A_169 = tpu.vector_load %arg8[%swap3A_167, %swap3A_168] {strides = array<i32>} : memref<2x128xf32, #tpu.memory_space<vmem>>, vector<16xf32>,
    tpu.vector_store %arg8[%swap3A_167, %swap3A_168], %scan3A_161#1 {strides = array<i32>} : memref<2x128xf32, #tpu.memory_space<vmem>>, vector<16xf32>,
    %swap3A_170 = arith.constant 0 : i32
    %swap3A_171 = arith.index_cast %swap3A_170 : i32 to index
    %swap3A_172 = arith.constant 16 : index
    %swap3A_173 = tpu.vector_load %arg8[%swap3A_171, %swap3A_172] {strides = array<i32>} : memref<2x128xf32, #tpu.memory_space<vmem>>, vector<16xf32>,
    tpu.vector_store %arg8[%swap3A_171, %swap3A_172], %scan3A_161#2 {strides = array<i32>} : memref<2x128xf32, #tpu.memory_space<vmem>>, vector<16xf32>,
    %swap3A_174 = arith.constant 1 : i32
    %swap3A_175 = arith.index_cast %swap3A_174 : i32 to index
    %swap3A_176 = arith.constant 16 : index
    %swap3A_177 = tpu.vector_load %arg8[%swap3A_175, %swap3A_176] {strides = array<i32>} : memref<2x128xf32, #tpu.memory_space<vmem>>, vector<16xf32>,
    tpu.vector_store %arg8[%swap3A_175, %swap3A_176], %scan3A_161#3 {strides = array<i32>} : memref<2x128xf32, #tpu.memory_space<vmem>>, vector<16xf32>,
    %swap3A_178 = arith.constant 0 : i32
    %swap3A_179 = arith.index_cast %swap3A_178 : i32 to index
    %swap3A_180 = arith.constant 32 : index
    %swap3A_181 = tpu.vector_load %arg8[%swap3A_179, %swap3A_180] {strides = array<i32>} : memref<2x128xf32, #tpu.memory_space<vmem>>, vector<16xf32>,
    tpu.vector_store %arg8[%swap3A_179, %swap3A_180], %scan3A_161#4 {strides = array<i32>} : memref<2x128xf32, #tpu.memory_space<vmem>>, vector<16xf32>,
    %swap3A_182 = arith.constant 1 : i32
    %swap3A_183 = arith.index_cast %swap3A_182 : i32 to index
    %swap3A_184 = arith.constant 32 : index
    %swap3A_185 = tpu.vector_load %arg8[%swap3A_183, %swap3A_184] {strides = array<i32>} : memref<2x128xf32, #tpu.memory_space<vmem>>, vector<16xf32>,
    tpu.vector_store %arg8[%swap3A_183, %swap3A_184], %scan3A_161#5 {strides = array<i32>} : memref<2x128xf32, #tpu.memory_space<vmem>>, vector<16xf32>,
    %swap3A_186 = arith.constant 0 : i32
    %swap3A_187 = arith.index_cast %swap3A_186 : i32 to index
    %swap3A_188 = arith.constant 48 : index
    %swap3A_189 = tpu.vector_load %arg8[%swap3A_187, %swap3A_188] {strides = array<i32>} : memref<2x128xf32, #tpu.memory_space<vmem>>, vector<16xf32>,
    tpu.vector_store %arg8[%swap3A_187, %swap3A_188], %scan3A_161#6 {strides = array<i32>} : memref<2x128xf32, #tpu.memory_space<vmem>>, vector<16xf32>,
    %swap3A_190 = arith.constant 1 : i32
    %swap3A_191 = arith.index_cast %swap3A_190 : i32 to index
    %swap3A_192 = arith.constant 48 : index
    %swap3A_193 = tpu.vector_load %arg8[%swap3A_191, %swap3A_192] {strides = array<i32>} : memref<2x128xf32, #tpu.memory_space<vmem>>, vector<16xf32>,
    tpu.vector_store %arg8[%swap3A_191, %swap3A_192], %scan3A_161#7 {strides = array<i32>} : memref<2x128xf32, #tpu.memory_space<vmem>>, vector<16xf32>,
    %swap3A_194 = arith.constant 0 : i32
    %swap3A_195 = arith.index_cast %swap3A_194 : i32 to index
    %swap3A_196 = arith.constant 64 : index
    %swap3A_197 = tpu.vector_load %arg8[%swap3A_195, %swap3A_196] {strides = array<i32>} : memref<2x128xf32, #tpu.memory_space<vmem>>, vector<16xf32>,
    tpu.vector_store %arg8[%swap3A_195, %swap3A_196], %scan3A_161#8 {strides = array<i32>} : memref<2x128xf32, #tpu.memory_space<vmem>>, vector<16xf32>,
    %swap3A_198 = arith.constant 1 : i32
    %swap3A_199 = arith.index_cast %swap3A_198 : i32 to index
    %swap3A_200 = arith.constant 64 : index
    %swap3A_201 = tpu.vector_load %arg8[%swap3A_199, %swap3A_200] {strides = array<i32>} : memref<2x128xf32, #tpu.memory_space<vmem>>, vector<16xf32>,
    tpu.vector_store %arg8[%swap3A_199, %swap3A_200], %scan3A_161#9 {strides = array<i32>} : memref<2x128xf32, #tpu.memory_space<vmem>>, vector<16xf32>,
    %swap3A_202 = arith.constant 0 : i32
    %swap3A_203 = arith.index_cast %swap3A_202 : i32 to index
    %swap3A_204 = arith.constant 80 : index
    %swap3A_205 = tpu.vector_load %arg8[%swap3A_203, %swap3A_204] {strides = array<i32>} : memref<2x128xf32, #tpu.memory_space<vmem>>, vector<16xf32>,
    tpu.vector_store %arg8[%swap3A_203, %swap3A_204], %scan3A_161#10 {strides = array<i32>} : memref<2x128xf32, #tpu.memory_space<vmem>>, vector<16xf32>,
    %swap3A_206 = arith.constant 1 : i32
    %swap3A_207 = arith.index_cast %swap3A_206 : i32 to index
    %swap3A_208 = arith.constant 80 : index
    %swap3A_209 = tpu.vector_load %arg8[%swap3A_207, %swap3A_208] {strides = array<i32>} : memref<2x128xf32, #tpu.memory_space<vmem>>, vector<16xf32>,
    tpu.vector_store %arg8[%swap3A_207, %swap3A_208], %scan3A_161#11 {strides = array<i32>} : memref<2x128xf32, #tpu.memory_space<vmem>>, vector<16xf32>,
    %swap3A_210 = arith.constant 0 : i32
    %swap3A_211 = arith.index_cast %swap3A_210 : i32 to index
    %swap3A_212 = arith.constant 96 : index
    %swap3A_213 = tpu.vector_load %arg8[%swap3A_211, %swap3A_212] {strides = array<i32>} : memref<2x128xf32, #tpu.memory_space<vmem>>, vector<16xf32>,
    tpu.vector_store %arg8[%swap3A_211, %swap3A_212], %scan3A_161#12 {strides = array<i32>} : memref<2x128xf32, #tpu.memory_space<vmem>>, vector<16xf32>,
    %swap3A_214 = arith.constant 1 : i32
    %swap3A_215 = arith.index_cast %swap3A_214 : i32 to index
    %swap3A_216 = arith.constant 96 : index
    %swap3A_217 = tpu.vector_load %arg8[%swap3A_215, %swap3A_216] {strides = array<i32>} : memref<2x128xf32, #tpu.memory_space<vmem>>, vector<16xf32>,
    tpu.vector_store %arg8[%swap3A_215, %swap3A_216], %scan3A_161#13 {strides = array<i32>} : memref<2x128xf32, #tpu.memory_space<vmem>>, vector<16xf32>,
    %swap3A_218 = arith.constant 0 : i32
    %swap3A_219 = arith.index_cast %swap3A_218 : i32 to index
    %swap3A_220 = arith.constant 112 : index
    %swap3A_221 = tpu.vector_load %arg8[%swap3A_219, %swap3A_220] {strides = array<i32>} : memref<2x128xf32, #tpu.memory_space<vmem>>, vector<16xf32>,
    tpu.vector_store %arg8[%swap3A_219, %swap3A_220], %scan3A_161#14 {strides = array<i32>} : memref<2x128xf32, #tpu.memory_space<vmem>>, vector<16xf32>,
    %swap3A_222 = arith.constant 1 : i32
    %swap3A_223 = arith.index_cast %swap3A_222 : i32 to index
    %swap3A_224 = arith.constant 112 : index
    %swap3A_225 = tpu.vector_load %arg8[%swap3A_223, %swap3A_224] {strides = array<i32>} : memref<2x128xf32, #tpu.memory_space<vmem>>, vector<16xf32>,
    tpu.vector_store %arg8[%swap3A_223, %swap3A_224], %scan3A_161#15 {strides = array<i32>} : memref<2x128xf32, #tpu.memory_space<vmem>>, vector<16xf32>,
    %dma_start3A_226 = arith.constant 0 : i32
    %dma_start3A_227 = arith.constant 0 : i32
    %dma_start3A_228 = tpu.memref_slice %arg8[%dma_start3A_226, %dma_start3A_227] : memref<2x128xf32, #tpu.memory_space<vmem>> -> memref<1x128xf32, #tpu.memory_space<vmem>>
    %dma_start3A_229 = tpu.memref_squeeze %dma_start3A_228 : memref<1x128xf32, #tpu.memory_space<vmem>> -> memref<128xf32, #tpu.memory_space<vmem>>
    %dma_start3A_230 = tpu.memref_slice %arg4[%mul3A_2] : memref<4096xf32, #tpu.memory_space<hbm>> -> memref<128xf32, #tpu.memory_space<hbm>>
    %dma_start3A_231 = tpu.memref_slice %arg4[%mul3A_2] : memref<4096xf32, #tpu.memory_space<hbm>> -> memref<128xf32, #tpu.memory_space<hbm>>
    %dma_start3A_232 = arith.constant 0 : i32
    %dma_start3A_233 = tpu.memref_slice %arg8[%dma_start3A_226, %dma_start3A_232] : memref<2x128xf32, #tpu.memory_space<vmem>> -> memref<1x128xf32, #tpu.memory_space<vmem>>
    %dma_start3A_234 = tpu.memref_squeeze %dma_start3A_233 : memref<1x128xf32, #tpu.memory_space<vmem>> -> memref<128xf32, #tpu.memory_space<vmem>>
    tpu.enqueue_dma source(%dma_start3A_234 : memref<128xf32, #tpu.memory_space<vmem>>) target(%dma_start3A_231 : memref<128xf32, #tpu.memory_space<hbm>>) target_semaphore(%arg11 : memref<!tpu.dma_semaphore, #tpu.memory_space<semaphore_mem>>)
    %dma_start3A_235 = arith.constant 1 : i32
    %dma_start3A_236 = arith.constant 0 : i32
    %dma_start3A_237 = tpu.memref_slice %arg8[%dma_start3A_235, %dma_start3A_236] : memref<2x128xf32, #tpu.memory_space<vmem>> -> memref<1x128xf32, #tpu.memory_space<vmem>>
    %dma_start3A_238 = tpu.memref_squeeze %dma_start3A_237 : memref<1x128xf32, #tpu.memory_space<vmem>> -> memref<128xf32, #tpu.memory_space<vmem>>
    %dma_start3A_239 = tpu.memref_slice %arg5[%mul3A_2] : memref<4096xf32, #tpu.memory_space<hbm>> -> memref<128xf32, #tpu.memory_space<hbm>>
    %dma_start3A_240 = tpu.memref_slice %arg5[%mul3A_2] : memref<4096xf32, #tpu.memory_space<hbm>> -> memref<128xf32, #tpu.memory_space<hbm>>
    %dma_start3A_241 = arith.constant 0 : i32
    %dma_start3A_242 = tpu.memref_slice %arg8[%dma_start3A_235, %dma_start3A_241] : memref<2x128xf32, #tpu.memory_space<vmem>> -> memref<1x128xf32, #tpu.memory_space<vmem>>
    %dma_start3A_243 = tpu.memref_squeeze %dma_start3A_242 : memref<1x128xf32, #tpu.memory_space<vmem>> -> memref<128xf32, #tpu.memory_space<vmem>>
    tpu.enqueue_dma source(%dma_start3A_243 : memref<128xf32, #tpu.memory_space<vmem>>) target(%dma_start3A_240 : memref<128xf32, #tpu.memory_space<hbm>>) target_semaphore(%arg12 : memref<!tpu.dma_semaphore, #tpu.memory_space<semaphore_mem>>)
    %dma_wait3A_244 = arith.constant 0 : i32
    %dma_wait3A_245 = arith.constant 0 : i32
    %dma_wait3A_246 = tpu.memref_slice %arg8[%dma_wait3A_244, %dma_wait3A_245] : memref<2x128xf32, #tpu.memory_space<vmem>> -> memref<1x128xf32, #tpu.memory_space<vmem>>
    %dma_wait3A_247 = tpu.memref_squeeze %dma_wait3A_246 : memref<1x128xf32, #tpu.memory_space<vmem>> -> memref<128xf32, #tpu.memory_space<vmem>>
    %dma_wait3A_248 = tpu.memref_slice %arg4[%mul3A_2] : memref<4096xf32, #tpu.memory_space<hbm>> -> memref<128xf32, #tpu.memory_space<hbm>>
    %dma_wait3A_249 = tpu.memref_slice %arg4[%mul3A_2] : memref<4096xf32, #tpu.memory_space<hbm>> -> memref<128xf32, #tpu.memory_space<hbm>>
    %dma_wait3A_250 = arith.constant 0 : i32
    %dma_wait3A_251 = tpu.memref_slice %arg8[%dma_wait3A_244, %dma_wait3A_250] : memref<2x128xf32, #tpu.memory_space<vmem>> -> memref<1x128xf32, #tpu.memory_space<vmem>>
    %dma_wait3A_252 = tpu.memref_squeeze %dma_wait3A_251 : memref<1x128xf32, #tpu.memory_space<vmem>> -> memref<128xf32, #tpu.memory_space<vmem>>
    tpu.wait_dma2 semaphore(%arg11 : memref<!tpu.dma_semaphore, #tpu.memory_space<semaphore_mem>>) src(%dma_wait3A_252 : memref<128xf32, #tpu.memory_space<vmem>>) dst(%dma_wait3A_249 : memref<128xf32, #tpu.memory_space<hbm>>)
    %dma_wait3A_253 = arith.constant 1 : i32
    %dma_wait3A_254 = arith.constant 0 : i32
    %dma_wait3A_255 = tpu.memref_slice %arg8[%dma_wait3A_253, %dma_wait3A_254] : memref<2x128xf32, #tpu.memory_space<vmem>> -> memref<1x128xf32, #tpu.memory_space<vmem>>
    %dma_wait3A_256 = tpu.memref_squeeze %dma_wait3A_255 : memref<1x128xf32, #tpu.memory_space<vmem>> -> memref<128xf32, #tpu.memory_space<vmem>>
    %dma_wait3A_257 = tpu.memref_slice %arg5[%mul3A_2] : memref<4096xf32, #tpu.memory_space<hbm>> -> memref<128xf32, #tpu.memory_space<hbm>>
    %dma_wait3A_258 = tpu.memref_slice %arg5[%mul3A_2] : memref<4096xf32, #tpu.memory_space<hbm>> -> memref<128xf32, #tpu.memory_space<hbm>>
    %dma_wait3A_259 = arith.constant 0 : i32
    %dma_wait3A_260 = tpu.memref_slice %arg8[%dma_wait3A_253, %dma_wait3A_259] : memref<2x128xf32, #tpu.memory_space<vmem>> -> memref<1x128xf32, #tpu.memory_space<vmem>>
    %dma_wait3A_261 = tpu.memref_squeeze %dma_wait3A_260 : memref<1x128xf32, #tpu.memory_space<vmem>> -> memref<128xf32, #tpu.memory_space<vmem>>
    tpu.wait_dma2 semaphore(%arg12 : memref<!tpu.dma_semaphore, #tpu.memory_space<semaphore_mem>>) src(%dma_wait3A_261 : memref<128xf32, #tpu.memory_space<vmem>>) dst(%dma_wait3A_258 : memref<128xf32, #tpu.memory_space<hbm>>)
    return
  }
}

module attributes {stable_mosaic.version = 14 : i64} {
  func.func @_logtab_body(%arg0: i32, %arg1: memref<2xf32, #tpu.memory_space<smem>>, %arg2: memref<2x51200xf32, #tpu.memory_space<vmem>>, %arg3: memref<51200xi32, #tpu.memory_space<vmem>>) attributes {dimension_semantics = [#tpu.dimension_semantics<arbitrary>], iteration_bounds = array<i64: 2>, scalar_prefetch = 0 : i64, scratch_operands = 0 : i64, tpu.core_type = #tpu.core_type<tc>, window_params = [{transform_indices = @transform_0, window_bounds = array<i64: 2>}, {transform_indices = @transform_1, window_bounds = array<i64: 2, 51200>}, {transform_indices = @transform_2, window_bounds = array<i64: 51200>}]} {
    %get3A = arith.constant 0 : index
    %get3A_0 = arith.constant 0 : index
    %get3A_1 = vector.load %arg2[%get3A, %get3A_0] : memref<2x51200xf32, #tpu.memory_space<vmem>>, vector<2x51200xf32>
    %iota3A = tpu.iota {dimensions = array<i32: 0>} : vector<2x1xi32>
    %eq3A = arith.constant 0 : i32
    %eq3A_2 = vector.broadcast %eq3A : i32 to vector<2x1xi32>
    %eq3A_3 = arith.cmpi eq, %iota3A, %eq3A_2 : vector<2x1xi32>
    %get3A_4 = arith.constant 0 : index
    %get3A_5 = memref.load %arg1[%get3A_4] : memref<2xf32, #tpu.memory_space<smem>>
    %get3A_6 = arith.constant 1 : index
    %get3A_7 = memref.load %arg1[%get3A_6] : memref<2xf32, #tpu.memory_space<smem>>
    %broadcast_in_dim3A = vector.broadcast %get3A_5 : f32 to vector<2x1xf32>
    %broadcast_in_dim3A_8 = vector.broadcast %get3A_7 : f32 to vector<2x1xf32>
    %select_n3A = arith.select %eq3A_3, %broadcast_in_dim3A, %broadcast_in_dim3A_8 : vector<2x1xi1>, vector<2x1xf32>
    %add3A = arith.constant 1.000000e+05 : f32
    %add3A_9 = vector.broadcast %add3A : f32 to vector<2x1xf32>
    %add3A_10 = arith.addf %select_n3A, %add3A_9 : vector<2x1xf32>
    %log3A = math.log %add3A_10 : vector<2x1xf32>
    %add3A_11 = arith.constant 1.000000e+00 : f32
    %add3A_12 = vector.broadcast %add3A_11 : f32 to vector<2x51200xf32>
    %add3A_13 = arith.addf %get3A_1, %add3A_12 : vector<2x51200xf32>
    %log3A_14 = math.log %add3A_13 : vector<2x51200xf32>
    %sub3A = vector.broadcast %log3A : vector<2x1xf32> to vector<2x51200xf32>
    %sub3A_15 = arith.subf %log3A_14, %sub3A : vector<2x51200xf32>
    %bitcast_convert_type3A = tpu.bitcast %sub3A_15 : vector<2x51200xf32> -> vector<2x51200xi32>
    %add3A_16 = arith.constant 32767 : i32
    %add3A_17 = vector.broadcast %add3A_16 : i32 to vector<2x51200xi32>
    %add3A_18 = arith.addi %bitcast_convert_type3A, %add3A_17 : vector<2x51200xi32>
    %shift_right_arithmetic3A = arith.constant 16 : i32
    %shift_right_arithmetic3A_19 = vector.broadcast %shift_right_arithmetic3A : i32 to vector<2x51200xi32>
    %shift_right_arithmetic3A_20 = arith.shrsi %bitcast_convert_type3A, %shift_right_arithmetic3A_19 : vector<2x51200xi32>
    %and3A = arith.constant 1 : i32
    %and3A_21 = vector.broadcast %and3A : i32 to vector<2x51200xi32>
    %and3A_22 = arith.andi %shift_right_arithmetic3A_20, %and3A_21 : vector<2x51200xi32>
    %add3A_23 = arith.addi %add3A_18, %and3A_22 : vector<2x51200xi32>
    %shift_right_arithmetic3A_24 = arith.constant 16 : i32
    %shift_right_arithmetic3A_25 = vector.broadcast %shift_right_arithmetic3A_24 : i32 to vector<2x51200xi32>
    %shift_right_arithmetic3A_26 = arith.shrsi %add3A_23, %shift_right_arithmetic3A_25 : vector<2x51200xi32>
    %and3A_27 = arith.constant 65535 : i32
    %and3A_28 = vector.broadcast %and3A_27 : i32 to vector<2x51200xi32>
    %and3A_29 = arith.andi %shift_right_arithmetic3A_26, %and3A_28 : vector<2x51200xi32>
    %slice3A = vector.extract_strided_slice %and3A_29 {offsets = [0, 0], sizes = [1, 51200], strides = [1, 1]} : vector<2x51200xi32> to vector<1x51200xi32>
    %slice3A_30 = vector.extract_strided_slice %and3A_29 {offsets = [1, 0], sizes = [1, 51200], strides = [1, 1]} : vector<2x51200xi32> to vector<1x51200xi32>
    %shift_left3A = arith.constant 16 : i32
    %shift_left3A_31 = vector.broadcast %shift_left3A : i32 to vector<1x51200xi32>
    %shift_left3A_32 = arith.shli %slice3A_30, %shift_left3A_31 : vector<1x51200xi32>
    %or3A = arith.ori %slice3A, %shift_left3A_32 : vector<1x51200xi32>
    %reshape3A = vector.shape_cast %or3A : vector<1x51200xi32> to vector<51200xi32>
    %swap3A = arith.constant 0 : index
    %swap3A_33 = vector.load %arg3[%swap3A] : memref<51200xi32, #tpu.memory_space<vmem>>, vector<51200xi32>
    tpu.vector_store %arg3[%swap3A], %reshape3A {strides = array<i32>} : memref<51200xi32, #tpu.memory_space<vmem>>, vector<51200xi32>,
    return
  }
  func.func @transform_0(%arg0: i32) -> i32 {
    %c0_i32 = arith.constant 0 : i32
    %c0_i32_0 = arith.constant 0 : i32
    return %c0_i32 : i32
  }
  func.func @transform_1(%arg0: i32) -> (i32, i32) {
    %c0_i32 = arith.constant 0 : i32
    %c0_i32_0 = arith.constant 0 : i32
    return %c0_i32, %arg0 : i32, i32
  }
  func.func @transform_2(%arg0: i32) -> i32 {
    %c0_i32 = arith.constant 0 : i32
    return %arg0 : i32
  }
}

</mosaic_0001>

<sc_bundles>
// kernel: kernel.4.cloned.1.call-start
scs
__scs_entry_jumppad:
0x0: {  	(pc) =	sbr.rel $0x88, $3  }
0x1: {  	(tag) =	ssettag $0x0;
	lr =	simm.s32 $0x1  }
0x2: {  	[smem:$0x3F9E] =	sst lr;
	_ =	strace $0xD0000000  }
0x3: {  	_ = 	snop  }
0x4: {  	_ = 	snop  }
0x5: {  	_ = 	snop  }
0x6: {  	_ = 	snop  }
0x7: {  	_ = 	snop  }
__scs_overlays_trampoline_lowered:
0x8: {  	[smem:$0x3FAD] =	sst s0  }
0x9: {  	[smem:$0x3FAE] =	sst s1  }
0xa: {  	[smem:$0x3FAF] =	sst s2  }
0xb: {  	[smem:$0x3FB0] =	sst s3  }
0xc: {  	[smem:$0x3FB1] =	sst s4  }
0xd: {  	[smem:$0x3FB2] =	sst s5  }
0xe: {  	[smem:$0x3FB3] =	sst s6  }
0xf: {  	[smem:$0x3FB4] =	sst s7  }
0x10: {  	[smem:$0x3FB5] =	sst s8  }
0x11: {  	[smem:$0x3FB6] =	sst s9;
	s0 =	simm.s32 @!p0 $0x0  }
0x12: {  	s1 =	sld [smem:$0x3F9C];
	s0 =	simm.s32 @p0 $0x1  }
0x13: {  	[smem:$0x3FB7] =	sst s0;
	s0 =	simm.s32 @!p1 $0x0  }
0x14: {  	s2 =	sld [smem:$0x3F9B];
	s0 =	simm.s32 @p1 $0x1  }
0x15: {  	[smem:$0x3FB8] =	sst s0;
	s0 =	simm.s32 @!p2 $0x0  }
0x16: {  	s3 =	sld [smem:$0x3FDB];
	s0 =	simm.s32 @p2 $0x1  }
0x17: {  	s4 =	simm.s32 $0x1BF5;
	[smem:$0x3FBA] =	sst s0  }
0x18: {  	s0 =	sld [smem:$0x3F9D];
	_ =	swait.ge [sflag:s4], $0x0  }
0x19: {  	s7 =	sld [smem:$0x3F9E]  }
0x1a: {  	s8 =	sadd.s32 $0xFFFFE003, lr  }
0x1b: {  	s9 =	sadd.s32 $0xFFFFFEF7, lr;
	s5 =	simm.s32 $0xFFFFFFFF;
	p2 =	slt.u32 s8, $0xFFFFF086  }
0x1c: {  	p1 =	slt.u32 s9, $0xF7A;
	s5 =	simm.s32 @!p2 $0x0  }
0x1d: {  	s5 =	simm.s32 @p1 $0x1;
	p0 =	seq.s32 s7, s2  }
0x1e: {  	s7 =	smul.u32 @!p0 $0xF7A, s2;
	p2 =	seq.s32 @!p0 s5, $0x0  }
0x1f: {  	s9 =	smul.u32 $0xF7A, s1;
	s8 =	simm.s32 @!p0 $0x1BF5;
	p2 =	por !p2, p0  }
0x20: {  	[sflag:s8] =	ssyncset.s32 @!p0 $0xFFFFF086;
	s6 =	sadd.s32 @!p0 s3, s7;
	s7 =	simm.s32 @!p0 $0x108  }
0x21: {  	s3 =	sadd.s32 s3, s9;
	s6 =	sadd.s32 @!p0 $0x88, s6;
	s7 =	simm.s32 @p2 $0x1082  }
0x22: {  	[simem:s7], [sflag:s8] =	dma.local @!p0 [hbm:s6], $0xF7A  }
0x23: {  	s9 =	sor.u32 $0xD0000000, s2;
	s6 =	simm.s32 $0x108;
	_ =	swait.ge @!p0 [sflag:s8], $0x0  }
0x24: {  	s3 =	sadd.s32 $0x88, s3;
	s6 =	simm.s32 @!p1 $0x1082;
	[sflag:s4] =	ssyncset.s32 $0xFFFFF086  }
0x25: {  	[simem:s6], [sflag:s4] =	dma.local [hbm:s3], $0xF7A  }
0x26: {  	[smem:$0x3F9E] =	sst s1;
	(tag) =	ssettag s2;
	_ =	strace s9  }
0x27: {  	s1 =	sld [smem:$0x3FAE]  }
0x28: {  	s2 =	sld [smem:$0x3FAF]  }
0x29: {  	s4 =	sld [smem:$0x3FB1]  }
0x2a: {  	p0 =	seq.s32 s5, $0x0;
	s5 =	sld [smem:$0x3FB2]  }
0x2b: {  	s6 =	sld [smem:$0x3FB3]  }
0x2c: {  	s7 =	sld [smem:$0x3FB4]  }
0x2d: {  	s3 =	simm.s32 $0x108;
	s8 =	sld [smem:$0x3FB5]  }
0x2e: {  	s3 =	simm.s32 @!p0 $0x1082;
	s9 =	sld [smem:$0x3FB6]  }
0x2f: {  	lr =	sadd.s32 s0, s3;
	s0 =	sld [smem:$0x3FAD]  }
0x30: {  	s3 =	sld [smem:$0x3FB0]  }
0x31: {  	[smem:$0x3FB9] =	sst s10  }
0x32: {  	s10 =	sld [smem:$0x3FB7];
	_ =	sdelay $0x3  }
0x33: {  	p0 =	seq.s32 s10, $0x1;
	s10 =	sld [smem:$0x3FB9];
	_ =	sdelay $0x3  }
0x34: {  	[smem:$0x3FB9] =	sst s10  }
0x35: {  	s10 =	sld [smem:$0x3FB8];
	_ =	sdelay $0x3  }
0x36: {  	p1 =	seq.s32 s10, $0x1;
	s10 =	sld [smem:$0x3FB9];
	_ =	sdelay $0x3  }
0x37: {  	[smem:$0x3FB9] =	sst s10  }
0x38: {  	s10 =	sld [smem:$0x3FBA]  }
0x39: {  	_ = 	snop;
	(pc) =	sbr.ind lr, $3  }
0x3a: {  	_ = 	snop  }
0x3b: {  	_ = 	snop  }
0x3c: {  	p2 =	seq.s32 s10, $0x1;
	s10 =	sld [smem:$0x3FB9]  }
0x3d: {  	_ =	shalt  }
0x3e: {  	_ =	shalt  }
0x3f: {  	_ =	shalt  }
0x40: {  	_ =	shalt  }
0x41: {  	_ =	shalt  }
0x42: {  	_ =	shalt  }
0x43: {  	_ =	shalt  }
0x44: {  	_ =	shalt  }
0x45: {  	_ =	shalt  }
0x46: {  	_ =	shalt  }
0x47: {  	_ =	shalt  }
0x48: {  	_ =	shalt  }
0x49: {  	_ =	shalt  }
0x4a: {  	_ =	shalt  }
0x4b: {  	_ =	shalt  }
0x4c: {  	_ =	shalt  }
0x4d: {  	_ =	shalt  }
0x4e: {  	_ =	shalt  }
0x4f: {  	_ =	shalt  }
0x50: {  	_ =	shalt  }
0x51: {  	_ =	shalt  }
0x52: {  	_ =	shalt  }
0x53: {  	_ =	shalt  }
0x54: {  	_ =	shalt  }
0x55: {  	_ =	shalt  }
0x56: {  	_ =	shalt  }
0x57: {  	_ =	shalt  }
0x58: {  	_ =	shalt  }
0x59: {  	_ =	shalt  }
0x5a: {  	_ =	shalt  }
0x5b: {  	_ =	shalt  }
0x5c: {  	_ =	shalt  }
0x5d: {  	_ =	shalt  }
0x5e: {  	_ =	shalt  }
0x5f: {  	_ =	shalt  }
0x60: {  	_ =	shalt  }
0x61: {  	_ =	shalt  }
0x62: {  	_ =	shalt  }
0x63: {  	_ =	shalt  }
0x64: {  	_ =	shalt  }
0x65: {  	_ =	shalt  }
0x66: {  	_ =	shalt  }
0x67: {  	_ =	shalt  }
0x68: {  	_ =	shalt  }
0x69: {  	_ =	shalt  }
0x6a: {  	_ =	shalt  }
0x6b: {  	_ =	shalt  }
0x6c: {  	_ =	shalt  }
0x6d: {  	_ =	shalt  }
0x6e: {  	_ =	shalt  }
0x6f: {  	_ =	shalt  }
0x70: {  	_ =	shalt  }
0x71: {  	_ =	shalt  }
0x72: {  	_ =	shalt  }
0x73: {  	_ =	shalt  }
0x74: {  	_ =	shalt  }
0x75: {  	_ =	shalt  }
0x76: {  	_ =	shalt  }
0x77: {  	_ =	shalt  }
0x78: {  	_ =	shalt  }
0x79: {  	_ =	shalt  }
0x7a: {  	_ =	shalt  }
0x7b: {  	_ =	shalt  }
0x7c: {  	_ =	shalt  }
0x7d: {  	_ =	shalt  }
0x7e: {  	_ =	shalt  }
0x7f: {  	_ =	shalt  }
0x80: {  	_ =	shalt  }
0x81: {  	_ =	shalt  }
0x82: {  	_ =	shalt  }
0x83: {  	_ =	shalt  }
0x84: {  	_ =	shalt  }
0x85: {  	_ =	shalt  }
0x86: {  	_ =	shalt  }
0x87: {  	_ =	shalt  }
.Lfunc_end0:
.L_simem_size_0:
called_computation_lowered:
.L_overlay_start_0:
0x88: {  	s2 =	sld [smem:$0x3FD9]  }
0x89: {  	s3 =	sld [smem:$0x3FFE];
	_ =	sdelay $0x1  }
0x8a: {  	s1 =	srdreg.scid  }
0x8b: {  	s0 =	sand.u32 $0x1, s1  }
0x8c: {  	s17 =	sshll.u32 s0, $0xA;
	s2 =	sadd.s32 s3, s2  }
0x8d: {  	s2 =	sadd.s32 s2, s17  }
0x8e: {  	[smem:$0x3FC5] =	sst s2  }
0x8f: {  	_ = 	snop  }
0x90: {  	s2 =	sld [smem:$0x3FC9];
	(tm) =	ssettm $0x1  }
0x91: {  	s18 =	sld [smem:$0x3FFB];
	_ =	sdelay $0x3  }
0x92: {  	_ =	strace s18  }
0x93: {  	s3 =	sld [smem:$0x3FFC];
	_ =	sdelay $0x3  }
0x94: {  	_ =	strace s3  }
0x95: {  	s3 =	sld [smem:$0x3FFD];
	_ =	sdelay $0x3  }
0x96: {  	_ =	strace s3  }
0x97: {  	_ =	strace $0x8FFFFFFF  }
0x98: {  	s19 =	sld [smem:$0x3FDB];
	_ =	sdelay $0x1  }
0x99: {  	s4 =	simm.s32 $_scs_section_size  }
0x9a: {  	s5 =	simm.s32 $_size__tile_overlayer_lowered;
	s6 =	simm.s32 $_tile_overlayer_lowered  }
0x9b: {  	s22 =	simm.s32 $0x1BFF;
	s21 =	sshll.u32 s6, $0x1;
	s3 =	sadd.s32 s4, s19  }
0x9c: {  	s7 =	simm.s32 $0x0;
	s20 =	sshll.u32 s5, $0x1;
	s5 =	sadd.s32 s21, s3  }
0x9d: {  	[timem:s7], [sflag:s22] =	dma.local [hbm:s5], s20  }
0x9e: {  	_ =	swait.ge [sflag:s22], s20  }
0x9f: {  	s4 =	ssub.s32 $0x0, s20;
	[sflag:s22] =	ssyncset.done $0x0  }
0xa0: {  	[sflag:s22] =	ssyncadd.s32 s4;
	_ =	sdelay $0x1  }
0xa1: {  	s23 =	simm.s32 $0x1B8B  }
0xa2: {  	_ =	swait.ge [sflag:s23], $0x1  }
0xa3: {  	[sflag:s23] =	ssyncset.done $0x0  }
0xa4: {  	s25 =	simm.s32 $0x1B8E;
	s24 =	sld [smem:$0x3FFE];
	[sflag:s23] =	ssyncadd.s32 $0xFFFFFFFF  }
0xa5: {  	s26 =	simm.s32 $execute0_lowered;
	[smem:$0x3FD2] =	sst s25  }
0xa6: {  	s5 =	sshll.u32 s26, $0x1;
	_ =	strace $0x80000046;
	[dreg:$0x1] =	wrdreg $0xFFFFFFFF  }
0xa7: {  	s28 =	simm.s32 $_size_execute0_lowered;
	s3 =	sadd.s32 s3, s5;
	[dreg:$0x0] =	wrdreg $0x0  }
0xa8: {  	s5 =	sshll.u32 s28, $0x1;
	[dreg:$0x2] =	wrdreg s3  }
0xa9: {  	[dreg:$0x3] =	wrdreg s5  }
0xaa: {  	[dreg:$0x4] =	wrdreg $0xC0  }
0xab: {  	_ =	task [dreg:s7], $0x5FFFF  }
0xac: {  	[dreg:$0x1] =	wrdreg $0xFFFFFFFF  }
0xad: {  	[dreg:$0x0] =	wrdreg $0x60  }
0xae: {  	[dreg:$0x2] =	wrdreg s24  }
0xaf: {  	[dreg:$0x3] =	wrdreg s2  }
0xb0: {  	[dreg:$0x4] =	wrdreg $0x1B0000  }
0xb1: {  	[dreg:$0x5] =	wrdreg $0x9  }
0xb2: {  	_ =	task.clear_ibuf [dreg:s7], $0x6FFFF;
	_ =	strace $0x90000046  }
0xb3: {  	s29 =	simm.s32 $0x9;
	_ =	strace $0x80000048  }
0xb4: {  	_ =	swait.ge [sflag:s29], $0x1  }
0xb5: {  	[sflag:s29] =	ssyncadd.s32 $0xFFFFFFFF  }
0xb6: {  	_ =	strace $0x90000048  }
0xb7: {  	_ =	sfence  }
0xb8: {  	s30 =	sld [smem:$0x0];
	_ =	sdelay $0x2  }
0xb9: {  	s31 =	sshll.u32 s1, $0xD;
	s1 =	sshrl.u32 s1, $0x2  }
0xba: {  	s3 =	sand.u32 $0x4000, s31;
	s1 =	sadd.s32 s1, s30  }
0xbb: {  	s0 =	sor.u32 s3, s0;
	s1 =	sshll.u32 s1, $0x11  }
0xbc: {  	s0 =	sor.u32 s1, s0  }
0xbd: {  	s0 =	sadd.s32 $0x8F2B, s0  }
0xbe: {  	[sflag:s0] =	ssyncadd.remote.s32 $0x1  }
0xbf: {  	_ =	sfence.sel $0xFFFF  }
0xc0: {  	[dreg:$0x0] =	wrdreg $0xFFFFFFFF;
	(pc) =	sbr.abs _section_cstart, $3  }
0xc1: {  	[dreg:$0x1] =	wrdreg $0xFFFFFFFF  }
0xc2: {  	_ =	task.clear_ibuf [dreg:s7], $0x2FFFF;
	_ =	strace $0x9FFFFFFF  }
0xc3: {  	(tm) =	ssettm $0x7FFFFFFF  }
tec
execute0_lowered:
.L_overlay_start_1:
0x0: {  	(tag) =	ssettag $0x1  }
0x1: {  	s5 =	rddreg [dreg:$0x0]  }
0x2: {  	s4 =	rddreg [dreg:$0x1]  }
0x3: {  	s1 =	rddreg [dreg:$0x2]  }
0x4: {  	s0 =	rddreg [dreg:$0x3];
	s2 =	simm.s32 $0x0;
	s3 =	srdreg.scid  }
0x5: {  	s12 =	stileid.u32;
	s13 =	simm.s32 $0x8000;
	s14 =	simm.s32 $0x18700  }
0x6: {  	s16 =	simm.s32 $0x1;
	s17 =	simm.s32 $0x19B00;
	s18 =	simm.s32 $0x2  }
0x7: {  	s19 =	simm.s32 $0x3;
	s20 =	simm.s32 $0x1AF00;
	s21 =	simm.s32 $0x1AF80  }
0x8: {  	s22 =	simm.s32 $0x0;
	[smem:$0x7FF] =	sst s2;
	s6 =	sand.u32 $0x1, s3  }
0x9: {  	s31 =	sshll.u32 s12, $0x1;
	s3 =	sadd.s32 $0xE00, s5;
	p0 =	sne.s32 s12, $0x0  }
0xa: {  	s12 =	simm.s32 $0x400;
	_ =	strace $0x80000047;
	s7 =	sor.u32 s6, s31  }
0xb: {  	s6 =	ssub.s32 $0x2, s6;
	s15 =	sshrl.u32 @!p0 s1, $0x3;
	s8 =	sshll.u32 s7, $0x7  }
0xc: {  	s7 =	sshll.u32 s7, $0x4;
	s9 =	sshrl.u32 s6, $0x1;
	s4 =	sadd.s32 s4, s8  }
0xd: {  	s10 =	sadd.s32 s7, s5;
	s11 =	ssub.s32 s6, s9;
	s5 =	sadd.s32 $0x5000, s4  }
0xe: {  	s6 =	sadd.s32 $0xA000, s4;
	s7 =	sadd.s32 $0xF000, s4;
	s8 =	sadd.s32 $0x14000, s4  }
0xf: {  	s9 =	sadd.s32 $0x4000, s10;
	s10 =	sadd.s32 $0x4200, s10;
	s11 =	smax.u32 s11, $0x1  }
.LBB2_1:
0x10: {  	[tilespmem:s14], [sflag:$0x2] =	stream.strided.gather [hbm4b:s4+s12], $0x1400, s13, s12, $0x38;
	[tilespmem:$0x1C870] =	vst v63  }
0x11: {  	s23 =	simm.s32 @!p0 $0x1C01  }
0x12: {  	[spmem:s15], [sflag:s23] =	dma.local @!p0 [hbm:s3], $0x30E0  }
0x13: {  	s23 =	simm.s32 @!p0 $0x1  }
0x14: {  	_ =	swait.ge @!p0 [sflag:s23], $0x30E0  }
0x15: {  	[sflag:s23] =	ssyncset.done @!p0 $0x0  }
0x16: {  	[sflag:s23] =	ssyncadd.s32 @!p0 $0xFFFFCF20  }
0x17: {  	[bflag:$0x0] =	sbarrier.arrive $0xFFFF  }
0x18: {  	[tilespmem:s2], [sflag:$0x1] =	stream.linear.gather [spmem:s1], $0x18700, $0x38;
	[tilespmem:$0x1C870] =	vst v63  }
0x19: {  	_ =	swait.ge [sflag:s16], $0x18700  }
0x1a: {  	[sflag:s16] =	ssyncset.done $0x0  }
0x1b: {  	[sflag:s16] =	ssyncadd.s32 $0xFFFE7900  }
0x1c: {  	[tilespmem:s17], [sflag:$0x3] =	stream.strided.gather [hbm4b:s5+s12], $0x1400, s13, s12, $0x38;
	[tilespmem:$0x1C870] =	vst v63  }
0x1d: {  	_ =	swait.ge [sflag:s18], $0x1400  }
0x1e: {  	[sflag:s18] =	ssyncset.done $0x0  }
0x1f: {  	s31 =	simm.s32 $0x0;
	[sflag:s18] =	ssyncadd.s32 $0xFFFFEC00  }
0x20: {  	v0 =	vld [tilespmem:s31+$0x18770]  }
0x21: {  	v1 =	vld [tilespmem:s31+$0x18700]  }
0x22: {  	v2 =	vld [tilespmem:s31+$0x18710]  }
0x23: {  	v3 =	vld [tilespmem:s31+$0x18720]  }
0x24: {  	v4 =	vld [tilespmem:s31+$0x18730]  }
0x25: {  	v5 =	vld [tilespmem:s31+$0x18740]  }
0x26: {  	v9 =	vld [tilespmem:s31+$0x18750]  }
0x27: {  	v18 =	vld [tilespmem:s31+$0x18760]  }
0x28: {  	v0 =	vld.idx.msk [tilespmem:v0+s2+$0x0], $0xffff  }
0x29: {  	v6 =	vld.idx.msk [tilespmem:v1+s2+$0x0], $0xffff  }
0x2a: {  	v13 =	vimm.f32 $0.0e+00;
	v16 =	vimm.f32 $0.0e+00;
	v22 =	vld.idx.msk [tilespmem:v2+s2+$0x0], $0xffff  }
0x2b: {  	v15 =	vimm.f32 $0.0e+00;
	v14 =	vimm.f32 $0.0e+00;
	v12 =	vimm.f32 $0.0e+00;
	v21 =	vld.idx.msk [tilespmem:v3+s2+$0x0], $0xffff  }
0x2c: {  	v10 =	vimm.f32 $0.0e+00;
	v11 =	vimm.f32 $0.0e+00;
	v7 =	vimm.f32 $0.0e+00;
	v20 =	vld.idx.msk [tilespmem:v4+s2+$0x0], $0xffff  }
0x2d: {  	v8 =	vimm.f32 $0.0e+00;
	v19 =	vld.idx.msk [tilespmem:v5+s2+$0x0], $0xffff;
	v3 =	vimm.f32 $0.0e+00;
	v4 =	vimm.f32 $0.0e+00  }
0x2e: {  	v17 =	vld.idx.msk [tilespmem:v9+s2+$0x0], $0xffff;
	v2 =	vimm.f32 $0.0e+00;
	v9 =	vimm.f32 $0.0e+00;
	v5 =	vimm.f32 $0.0e+00  }
0x2f: {  	v1 =	vshll.u32 v0, $0x10;
	v0 =	vand.u32 $0xFFFF0000, v0;
	v24 =	vshll.u32 v6, $0x10  }
0x30: {  	s24 =	simm.s32 $0x80;
	s23 =	simm.s32 $0x400;
	v18 =	vld.idx.msk [tilespmem:v18+s2+$0x0], $0xffff;
	v23 =	vand.u32 $0xFFFF0000, v6;
	v6 =	vimm.f32 $0.0e+00;
	v0 =	vadd.f32 v0, v13  }
.LBB2_2:
0x31: {  	p1 =	sne.s32 s23, $0x4E00;
	v25 =	vld [tilespmem:s24+$0x18770];
	v13 =	vadd.f32 v24, v13;
	v24 =	vshll.u32 v22, $0x10;
	v22 =	vand.u32 $0xFFFF0000, v22  }
0x32: {  	v16 =	vadd.f32 v23, v16;
	v23 =	vshll.u32 v21, $0x10;
	v21 =	vand.u32 $0xFFFF0000, v21;
	v26 =	vld [tilespmem:s24+$0x18700]  }
0x33: {  	v15 =	vadd.f32 v24, v15;
	v24 =	vshll.u32 v20, $0x10;
	v20 =	vand.u32 $0xFFFF0000, v20;
	v27 =	vld [tilespmem:s24+$0x18710]  }
0x34: {  	v14 =	vadd.f32 v22, v14;
	v22 =	vshll.u32 v19, $0x10;
	v19 =	vand.u32 $0xFFFF0000, v19;
	v28 =	vld [tilespmem:s24+$0x18720]  }
0x35: {  	v12 =	vadd.f32 v23, v12;
	v23 =	vshll.u32 v17, $0x10;
	v17 =	vand.u32 $0xFFFF0000, v17;
	v29 =	vld [tilespmem:s24+$0x18730]  }
0x36: {  	v10 =	vadd.f32 v21, v10;
	v21 =	vshll.u32 v18, $0x10;
	v18 =	vand.u32 $0xFFFF0000, v18;
	v30 =	vld [tilespmem:s24+$0x18740]  }
0x37: {  	v11 =	vadd.f32 v24, v11;
	v7 =	vadd.f32 v20, v7;
	v31 =	vld [tilespmem:s24+$0x18750]  }
0x38: {  	v8 =	vadd.f32 v22, v8;
	v3 =	vadd.f32 v19, v3;
	v32 =	vld [tilespmem:s24+$0x18760]  }
0x39: {  	v4 =	vadd.f32 v23, v4;
	v2 =	vadd.f32 v17, v2;
	v24 =	vld.idx.msk [tilespmem:v25+s2+$0x0], $0xffff  }
0x3a: {  	v9 =	vadd.f32 v21, v9;
	v5 =	vadd.f32 v18, v5;
	v23 =	vld.idx.msk [tilespmem:v26+s2+$0x0], $0xffff  }
0x3b: {  	v6 =	vadd.f32 v1, v6;
	v22 =	vld.idx.msk [tilespmem:v27+s2+$0x0], $0xffff  }
.Ltmp0:
0x3c: {  	v21 =	vld.idx.msk [tilespmem:v28+s2+$0x0], $0xffff;
	(pc) =	sbr.rel @p1 .LBB2_2-.Ltmp0, $4  }
0x3d: {  	v20 =	vld.idx.msk [tilespmem:v29+s2+$0x0], $0xffff  }
0x3e: {  	v19 =	vld.idx.msk [tilespmem:v30+s2+$0x0], $0xffff  }
0x3f: {  	v1 =	vshll.u32 v24, $0x10;
	v25 =	vand.u32 $0xFFFF0000, v24;
	v17 =	vld.idx.msk [tilespmem:v31+s2+$0x0], $0xffff  }
0x40: {  	s24 =	sshra.s32 s23, $0x2;
	s23 =	sadd.s32 $0x200, s23;
	v24 =	vshll.u32 v23, $0x10;
	v23 =	vand.u32 $0xFFFF0000, v23;
	v0 =	vadd.f32 v25, v0;
	v18 =	vld.idx.msk [tilespmem:v32+s2+$0x0], $0xffff  }
0x41: {  	v25 =	vld [tilespmem:s24+$0x18770]  }
0x42: {  	v26 =	vld [tilespmem:s24+$0x18700]  }
0x43: {  	v27 =	vld [tilespmem:s24+$0x18710]  }
0x44: {  	v28 =	vld [tilespmem:s24+$0x18720]  }
0x45: {  	v29 =	vld [tilespmem:s24+$0x18730]  }
0x46: {  	v30 =	vld [tilespmem:s24+$0x18740]  }
0x47: {  	v31 =	vld [tilespmem:s24+$0x18750]  }
0x48: {  	v32 =	vld [tilespmem:s24+$0x18760]  }
0x49: {  	v25 =	vld.idx.msk [tilespmem:v25+s2+$0x0], $0xffff  }
0x4a: {  	v26 =	vld.idx.msk [tilespmem:v26+s2+$0x0], $0xffff  }
0x4b: {  	v27 =	vld.idx.msk [tilespmem:v27+s2+$0x0], $0xffff  }
0x4c: {  	v28 =	vld.idx.msk [tilespmem:v28+s2+$0x0], $0xffff  }
0x4d: {  	v29 =	vld.idx.msk [tilespmem:v29+s2+$0x0], $0xffff  }
0x4e: {  	v13 =	vadd.f32 v24, v13;
	v30 =	vld.idx.msk [tilespmem:v30+s2+$0x0], $0xffff  }
0x4f: {  	v16 =	vadd.f32 v23, v16;
	v23 =	vshll.u32 v22, $0x10;
	v22 =	vand.u32 $0xFFFF0000, v22;
	v24 =	vld.idx.msk [tilespmem:v31+s2+$0x0], $0xffff  }
0x50: {  	v60 =	vadd.f32 v1, v6;
	v15 =	vadd.f32 v23, v15;
	v23 =	vshll.u32 v21, $0x10;
	v59 =	vld.idx.msk [tilespmem:v32+s2+$0x0], $0xffff;
	[tilespmem:s14], [sflag:$0x2] =	stream.strided.gather [hbm4b:s6+s12], $0x1400, s13, s12, $0x38  }
0x51: {  	v21 =	vand.u32 $0xFFFF0000, v21;
	v22 =	vadd.f32 v22, v14;
	v14 =	vshll.u32 v20, $0x10;
	_ =	swait.ge [sflag:s19], $0x1400  }
0x52: {  	v20 =	vand.u32 $0xFFFF0000, v20;
	v12 =	vadd.f32 v23, v12;
	v23 =	vshll.u32 v19, $0x10;
	[sflag:s19] =	ssyncset.done $0x0  }
0x53: {  	s23 =	simm.s32 $0x0;
	v19 =	vand.u32 $0xFFFF0000, v19;
	v10 =	vadd.f32 v21, v10;
	v11 =	vadd.f32 v14, v11;
	[sflag:s19] =	ssyncadd.s32 $0xFFFFEC00  }
0x54: {  	v21 =	vshll.u32 v17, $0x10;
	v14 =	vand.u32 $0xFFFF0000, v17;
	v17 =	vadd.f32 v20, v7;
	v20 =	vld [tilespmem:s23+$0x19B70]  }
0x55: {  	v8 =	vadd.f32 v23, v8;
	v7 =	vshll.u32 v18, $0x10;
	v23 =	vadd.f32 v21, v4;
	v21 =	vld [tilespmem:s23+$0x19B00]  }
0x56: {  	v19 =	vadd.f32 v19, v3;
	v3 =	vand.u32 $0xFFFF0000, v18;
	v18 =	vadd.f32 v7, v9;
	v9 =	vld [tilespmem:s23+$0x19B10]  }
0x57: {  	v2 =	vadd.f32 v14, v2;
	v5 =	vadd.f32 v3, v5;
	v33 =	vld [tilespmem:s23+$0x19B20];
	v1 =	vand.u32 $0xFFFF0000, v25  }
0x58: {  	v34 =	vld [tilespmem:s23+$0x19B30];
	v3 =	vshll.u32 v26, $0x10;
	v4 =	vand.u32 $0xFFFF0000, v26;
	v61 =	vshll.u32 v30, $0x10  }
0x59: {  	v26 =	vadd.f32 v1, v0;
	v0 =	vshll.u32 v27, $0x10;
	v1 =	vand.u32 $0xFFFF0000, v27;
	v27 =	vld [tilespmem:s23+$0x19B40]  }
0x5a: {  	v6 =	vadd.f32 v3, v13;
	v13 =	vadd.f32 v4, v16;
	v3 =	vshll.u32 v28, $0x10;
	v16 =	vld [tilespmem:s23+$0x19B50]  }
0x5b: {  	v4 =	vand.u32 $0xFFFF0000, v28;
	v8 =	vadd.f32 v61, v8;
	v14 =	vadd.f32 v0, v15;
	v15 =	vld [tilespmem:s23+$0x19B60]  }
0x5c: {  	v0 =	vshll.u32 v29, $0x10;
	v7 =	vadd.f32 v1, v22;
	v1 =	vand.u32 $0xFFFF0000, v29;
	v62 =	vld.idx.msk [tilespmem:v20+s2+$0x0], $0xffff  }
0x5d: {  	v3 =	vadd.f32 v3, v12;
	v4 =	vadd.f32 v4, v10;
	v10 =	vshll.u32 v24, $0x10;
	v63 =	vld.idx.msk [tilespmem:v21+s2+$0x0], $0xffff  }
0x5e: {  	v24 =	vand.u32 $0xFFFF0000, v24;
	v12 =	vadd.f32 v0, v11;
	v0 =	vadd.f32 v1, v17;
	v22 =	vld.idx.msk [tilespmem:v9+s2+$0x0], $0xffff  }
0x5f: {  	v17 =	vand.u32 $0xFFFF0000, v59;
	v2 =	vadd.f32 v24, v2;
	v20 =	vand.u32 $0xFFFF0000, v30;
	v21 =	vld.idx.msk [tilespmem:v33+s2+$0x0], $0xffff  }
0x60: {  	v11 =	vshll.u32 v59, $0x10;
	v5 =	vadd.f32 v17, v5;
	v1 =	vadd.f32 v20, v19;
	v20 =	vld.idx.msk [tilespmem:v34+s2+$0x0], $0xffff  }
0x61: {  	v9 =	vadd.f32 v10, v23;
	v23 =	vshll.u32 v25, $0x10;
	v10 =	vadd.f32 v11, v18;
	v19 =	vld.idx.msk [tilespmem:v27+s2+$0x0], $0xffff  }
0x62: {  	v11 =	vadd.f32 v23, v60;
	v17 =	vld.idx.msk [tilespmem:v16+s2+$0x0], $0xffff;
	v16 =	vshll.u32 v62, $0x10;
	v25 =	vand.u32 $0xFFFF0000, v62  }
0x63: {  	s24 =	simm.s32 $0x80;
	s23 =	simm.s32 $0x400;
	v18 =	vld.idx.msk [tilespmem:v15+s2+$0x0], $0xffff;
	v24 =	vshll.u32 v63, $0x10;
	v23 =	vand.u32 $0xFFFF0000, v63;
	v15 =	vadd.f32 v25, v26  }
.LBB2_4:
0x64: {  	p1 =	sne.s32 s23, $0x4E00;
	v25 =	vld [tilespmem:s24+$0x19B70];
	v6 =	vadd.f32 v24, v6;
	v24 =	vshll.u32 v22, $0x10;
	v22 =	vand.u32 $0xFFFF0000, v22  }
0x65: {  	v13 =	vadd.f32 v23, v13;
	v23 =	vshll.u32 v21, $0x10;
	v21 =	vand.u32 $0xFFFF0000, v21;
	v26 =	vld [tilespmem:s24+$0x19B00]  }
0x66: {  	v14 =	vadd.f32 v24, v14;
	v24 =	vshll.u32 v20, $0x10;
	v20 =	vand.u32 $0xFFFF0000, v20;
	v27 =	vld [tilespmem:s24+$0x19B10]  }
0x67: {  	v7 =	vadd.f32 v22, v7;
	v22 =	vshll.u32 v19, $0x10;
	v19 =	vand.u32 $0xFFFF0000, v19;
	v28 =	vld [tilespmem:s24+$0x19B20]  }
0x68: {  	v3 =	vadd.f32 v23, v3;
	v23 =	vshll.u32 v17, $0x10;
	v17 =	vand.u32 $0xFFFF0000, v17;
	v29 =	vld [tilespmem:s24+$0x19B30]  }
0x69: {  	v4 =	vadd.f32 v21, v4;
	v21 =	vshll.u32 v18, $0x10;
	v18 =	vand.u32 $0xFFFF0000, v18;
	v30 =	vld [tilespmem:s24+$0x19B40]  }
0x6a: {  	v12 =	vadd.f32 v24, v12;
	v0 =	vadd.f32 v20, v0;
	v31 =	vld [tilespmem:s24+$0x19B50]  }
0x6b: {  	v8 =	vadd.f32 v22, v8;
	v1 =	vadd.f32 v19, v1;
	v32 =	vld [tilespmem:s24+$0x19B60]  }
0x6c: {  	v9 =	vadd.f32 v23, v9;
	v2 =	vadd.f32 v17, v2;
	v24 =	vld.idx.msk [tilespmem:v25+s2+$0x0], $0xffff  }
0x6d: {  	v10 =	vadd.f32 v21, v10;
	v5 =	vadd.f32 v18, v5;
	v23 =	vld.idx.msk [tilespmem:v26+s2+$0x0], $0xffff  }
0x6e: {  	v11 =	vadd.f32 v16, v11;
	v22 =	vld.idx.msk [tilespmem:v27+s2+$0x0], $0xffff  }
.Ltmp1:
0x6f: {  	v21 =	vld.idx.msk [tilespmem:v28+s2+$0x0], $0xffff;
	(pc) =	sbr.rel @p1 .LBB2_4-.Ltmp1, $4  }
0x70: {  	v20 =	vld.idx.msk [tilespmem:v29+s2+$0x0], $0xffff  }
0x71: {  	v19 =	vld.idx.msk [tilespmem:v30+s2+$0x0], $0xffff  }
0x72: {  	v16 =	vshll.u32 v24, $0x10;
	v25 =	vand.u32 $0xFFFF0000, v24;
	v17 =	vld.idx.msk [tilespmem:v31+s2+$0x0], $0xffff  }
0x73: {  	s24 =	sshra.s32 s23, $0x2;
	s23 =	sadd.s32 $0x200, s23;
	v24 =	vshll.u32 v23, $0x10;
	v23 =	vand.u32 $0xFFFF0000, v23;
	v15 =	vadd.f32 v25, v15;
	v18 =	vld.idx.msk [tilespmem:v32+s2+$0x0], $0xffff  }
0x74: {  	v25 =	vld [tilespmem:s24+$0x19B70]  }
0x75: {  	v26 =	vld [tilespmem:s24+$0x19B00]  }
0x76: {  	v27 =	vld [tilespmem:s24+$0x19B10]  }
0x77: {  	v28 =	vld [tilespmem:s24+$0x19B20]  }
0x78: {  	v29 =	vld [tilespmem:s24+$0x19B30]  }
0x79: {  	v30 =	vld [tilespmem:s24+$0x19B40]  }
0x7a: {  	v31 =	vld [tilespmem:s24+$0x19B50]  }
0x7b: {  	v32 =	vld [tilespmem:s24+$0x19B60]  }
0x7c: {  	v25 =	vld.idx.msk [tilespmem:v25+s2+$0x0], $0xffff  }
0x7d: {  	v26 =	vld.idx.msk [tilespmem:v26+s2+$0x0], $0xffff  }
0x7e: {  	v27 =	vld.idx.msk [tilespmem:v27+s2+$0x0], $0xffff  }
0x7f: {  	v28 =	vld.idx.msk [tilespmem:v28+s2+$0x0], $0xffff  }
0x80: {  	v29 =	vld.idx.msk [tilespmem:v29+s2+$0x0], $0xffff  }
0x81: {  	v6 =	vadd.f32 v24, v6;
	v13 =	vadd.f32 v23, v13;
	v30 =	vld.idx.msk [tilespmem:v30+s2+$0x0], $0xffff  }
0x82: {  	v23 =	vshll.u32 v22, $0x10;
	v22 =	vand.u32 $0xFFFF0000, v22;
	v11 =	vadd.f32 v16, v11;
	v24 =	vld.idx.msk [tilespmem:v31+s2+$0x0], $0xffff  }
0x83: {  	v14 =	vadd.f32 v23, v14;
	v23 =	vshll.u32 v21, $0x10;
	v21 =	vand.u32 $0xFFFF0000, v21;
	v59 =	vld.idx.msk [tilespmem:v32+s2+$0x0], $0xffff;
	[tilespmem:s17], [sflag:$0x3] =	stream.strided.gather [hbm4b:s7+s12], $0x1400, s13, s12, $0x38  }
0x84: {  	v7 =	vadd.f32 v22, v7;
	v22 =	vshll.u32 v20, $0x10;
	v20 =	vand.u32 $0xFFFF0000, v20;
	_ =	swait.ge [sflag:s18], $0x1400  }
0x85: {  	v3 =	vadd.f32 v23, v3;
	v23 =	vshll.u32 v19, $0x10;
	v4 =	vadd.f32 v21, v4;
	[sflag:s18] =	ssyncset.done $0x0  }
0x86: {  	s23 =	simm.s32 $0x0;
	v19 =	vand.u32 $0xFFFF0000, v19;
	v12 =	vadd.f32 v22, v12;
	v0 =	vadd.f32 v20, v0;
	[sflag:s18] =	ssyncadd.s32 $0xFFFFEC00  }
0x87: {  	v21 =	vshll.u32 v17, $0x10;
	v17 =	vand.u32 $0xFFFF0000, v17;
	v8 =	vadd.f32 v23, v8;
	v20 =	vld [tilespmem:s23+$0x18770]  }
0x88: {  	v1 =	vadd.f32 v19, v1;
	v22 =	vshll.u32 v18, $0x10;
	v9 =	vadd.f32 v21, v9;
	v19 =	vld [tilespmem:s23+$0x18700]  }
0x89: {  	v18 =	vand.u32 $0xFFFF0000, v18;
	v2 =	vadd.f32 v17, v2;
	v10 =	vadd.f32 v22, v10;
	v17 =	vld [tilespmem:s23+$0x18710]  }
0x8a: {  	v5 =	vadd.f32 v18, v5;
	v18 =	vld [tilespmem:s23+$0x18720];
	v16 =	vand.u32 $0xFFFF0000, v25;
	v21 =	vshll.u32 v26, $0x10  }
0x8b: {  	v22 =	vand.u32 $0xFFFF0000, v26;
	v23 =	vand.u32 $0xFFFF0000, v27;
	v26 =	vld [tilespmem:s23+$0x18740];
	v62 =	vshll.u32 v30, $0x10  }
0x8c: {  	v15 =	vadd.f32 v16, v15;
	v16 =	vld [tilespmem:s23+$0x18730];
	v6 =	vadd.f32 v21, v6;
	v21 =	vshll.u32 v27, $0x10  }
0x8d: {  	v60 =	vld [tilespmem:s23+$0x18750];
	v13 =	vadd.f32 v22, v13;
	v22 =	vshll.u32 v28, $0x10;
	v27 =	vand.u32 $0xFFFF0000, v28  }
0x8e: {  	v61 =	vld [tilespmem:s23+$0x18760];
	v7 =	vadd.f32 v23, v7;
	v23 =	vand.u32 $0xFFFF0000, v29;
	v8 =	vadd.f32 v62, v8  }
0x8f: {  	v14 =	vadd.f32 v21, v14;
	v21 =	vshll.u32 v29, $0x10;
	v3 =	vadd.f32 v22, v3;
	v33 =	vld.idx.msk [tilespmem:v20+s2+$0x0], $0xffff  }
0x90: {  	v4 =	vadd.f32 v27, v4;
	v27 =	vshll.u32 v24, $0x10;
	v0 =	vadd.f32 v23, v0;
	v63 =	vld.idx.msk [tilespmem:v19+s2+$0x0], $0xffff  }
0x91: {  	v12 =	vadd.f32 v21, v12;
	v9 =	vadd.f32 v27, v9;
	v22 =	vld.idx.msk [tilespmem:v17+s2+$0x0], $0xffff  }
0x92: {  	v20 =	vand.u32 $0xFFFF0000, v30;
	v19 =	vand.u32 $0xFFFF0000, v24;
	v17 =	vshll.u32 v59, $0x10;
	v21 =	vld.idx.msk [tilespmem:v18+s2+$0x0], $0xffff  }
0x93: {  	v18 =	vand.u32 $0xFFFF0000, v59;
	v1 =	vadd.f32 v20, v1;
	v2 =	vadd.f32 v19, v2;
	v19 =	vld.idx.msk [tilespmem:v26+s2+$0x0], $0xffff  }
0x94: {  	v10 =	vadd.f32 v17, v10;
	v5 =	vadd.f32 v18, v5;
	v20 =	vld.idx.msk [tilespmem:v16+s2+$0x0], $0xffff;
	v16 =	vshll.u32 v25, $0x10  }
0x95: {  	v17 =	vld.idx.msk [tilespmem:v60+s2+$0x0], $0xffff;
	v11 =	vadd.f32 v16, v11;
	v16 =	vshll.u32 v33, $0x10;
	v25 =	vand.u32 $0xFFFF0000, v33  }
0x96: {  	s24 =	simm.s32 $0x80;
	s23 =	simm.s32 $0x400;
	v18 =	vld.idx.msk [tilespmem:v61+s2+$0x0], $0xffff;
	v24 =	vshll.u32 v63, $0x10;
	v23 =	vand.u32 $0xFFFF0000, v63;
	v15 =	vadd.f32 v25, v15  }
.LBB2_6:
0x97: {  	p1 =	sne.s32 s23, $0x4E00;
	v25 =	vld [tilespmem:s24+$0x18770];
	v6 =	vadd.f32 v24, v6;
	v24 =	vshll.u32 v22, $0x10;
	v22 =	vand.u32 $0xFFFF0000, v22  }
0x98: {  	v13 =	vadd.f32 v23, v13;
	v23 =	vshll.u32 v21, $0x10;
	v21 =	vand.u32 $0xFFFF0000, v21;
	v26 =	vld [tilespmem:s24+$0x18700]  }
0x99: {  	v14 =	vadd.f32 v24, v14;
	v24 =	vshll.u32 v20, $0x10;
	v20 =	vand.u32 $0xFFFF0000, v20;
	v27 =	vld [tilespmem:s24+$0x18710]  }
0x9a: {  	v7 =	vadd.f32 v22, v7;
	v22 =	vshll.u32 v19, $0x10;
	v19 =	vand.u32 $0xFFFF0000, v19;
	v28 =	vld [tilespmem:s24+$0x18720]  }
0x9b: {  	v3 =	vadd.f32 v23, v3;
	v23 =	vshll.u32 v17, $0x10;
	v17 =	vand.u32 $0xFFFF0000, v17;
	v29 =	vld [tilespmem:s24+$0x18730]  }
0x9c: {  	v4 =	vadd.f32 v21, v4;
	v21 =	vshll.u32 v18, $0x10;
	v18 =	vand.u32 $0xFFFF0000, v18;
	v30 =	vld [tilespmem:s24+$0x18740]  }
0x9d: {  	v12 =	vadd.f32 v24, v12;
	v0 =	vadd.f32 v20, v0;
	v31 =	vld [tilespmem:s24+$0x18750]  }
0x9e: {  	v8 =	vadd.f32 v22, v8;
	v1 =	vadd.f32 v19, v1;
	v32 =	vld [tilespmem:s24+$0x18760]  }
0x9f: {  	v9 =	vadd.f32 v23, v9;
	v2 =	vadd.f32 v17, v2;
	v24 =	vld.idx.msk [tilespmem:v25+s2+$0x0], $0xffff  }
0xa0: {  	v10 =	vadd.f32 v21, v10;
	v5 =	vadd.f32 v18, v5;
	v23 =	vld.idx.msk [tilespmem:v26+s2+$0x0], $0xffff  }
0xa1: {  	v11 =	vadd.f32 v16, v11;
	v22 =	vld.idx.msk [tilespmem:v27+s2+$0x0], $0xffff  }
.Ltmp2:
0xa2: {  	v21 =	vld.idx.msk [tilespmem:v28+s2+$0x0], $0xffff;
	(pc) =	sbr.rel @p1 .LBB2_6-.Ltmp2, $4  }
0xa3: {  	v20 =	vld.idx.msk [tilespmem:v29+s2+$0x0], $0xffff  }
0xa4: {  	v19 =	vld.idx.msk [tilespmem:v30+s2+$0x0], $0xffff  }
0xa5: {  	v16 =	vshll.u32 v24, $0x10;
	v25 =	vand.u32 $0xFFFF0000, v24;
	v17 =	vld.idx.msk [tilespmem:v31+s2+$0x0], $0xffff  }
0xa6: {  	s24 =	sshra.s32 s23, $0x2;
	s23 =	sadd.s32 $0x200, s23;
	v24 =	vshll.u32 v23, $0x10;
	v23 =	vand.u32 $0xFFFF0000, v23;
	v15 =	vadd.f32 v25, v15;
	v18 =	vld.idx.msk [tilespmem:v32+s2+$0x0], $0xffff  }
0xa7: {  	v25 =	vld [tilespmem:s24+$0x18770]  }
0xa8: {  	v26 =	vld [tilespmem:s24+$0x18700]  }
0xa9: {  	v27 =	vld [tilespmem:s24+$0x18710]  }
0xaa: {  	v28 =	vld [tilespmem:s24+$0x18720]  }
0xab: {  	v29 =	vld [tilespmem:s24+$0x18730]  }
0xac: {  	v30 =	vld [tilespmem:s24+$0x18740]  }
0xad: {  	v31 =	vld [tilespmem:s24+$0x18750]  }
0xae: {  	v32 =	vld [tilespmem:s24+$0x18760]  }
0xaf: {  	v25 =	vld.idx.msk [tilespmem:v25+s2+$0x0], $0xffff  }
0xb0: {  	v26 =	vld.idx.msk [tilespmem:v26+s2+$0x0], $0xffff  }
0xb1: {  	v27 =	vld.idx.msk [tilespmem:v27+s2+$0x0], $0xffff  }
0xb2: {  	v28 =	vld.idx.msk [tilespmem:v28+s2+$0x0], $0xffff  }
0xb3: {  	v29 =	vld.idx.msk [tilespmem:v29+s2+$0x0], $0xffff  }
0xb4: {  	v6 =	vadd.f32 v24, v6;
	v13 =	vadd.f32 v23, v13;
	v30 =	vld.idx.msk [tilespmem:v30+s2+$0x0], $0xffff  }
0xb5: {  	v23 =	vshll.u32 v22, $0x10;
	v22 =	vand.u32 $0xFFFF0000, v22;
	v11 =	vadd.f32 v16, v11;
	v24 =	vld.idx.msk [tilespmem:v31+s2+$0x0], $0xffff  }
0xb6: {  	v14 =	vadd.f32 v23, v14;
	v23 =	vshll.u32 v21, $0x10;
	v21 =	vand.u32 $0xFFFF0000, v21;
	v59 =	vld.idx.msk [tilespmem:v32+s2+$0x0], $0xffff;
	[tilespmem:s14], [sflag:$0x2] =	stream.strided.gather [hbm4b:s8+s12], $0x1400, s13, s12, $0x38  }
0xb7: {  	v7 =	vadd.f32 v22, v7;
	v22 =	vshll.u32 v20, $0x10;
	v20 =	vand.u32 $0xFFFF0000, v20;
	_ =	swait.ge [sflag:s19], $0x1400  }
0xb8: {  	v3 =	vadd.f32 v23, v3;
	v23 =	vshll.u32 v19, $0x10;
	v4 =	vadd.f32 v21, v4;
	[sflag:s19] =	ssyncset.done $0x0  }
0xb9: {  	s23 =	simm.s32 $0x0;
	v19 =	vand.u32 $0xFFFF0000, v19;
	v12 =	vadd.f32 v22, v12;
	v0 =	vadd.f32 v20, v0;
	[sflag:s19] =	ssyncadd.s32 $0xFFFFEC00  }
0xba: {  	v21 =	vshll.u32 v17, $0x10;
	v17 =	vand.u32 $0xFFFF0000, v17;
	v8 =	vadd.f32 v23, v8;
	v20 =	vld [tilespmem:s23+$0x19B70]  }
0xbb: {  	v1 =	vadd.f32 v19, v1;
	v22 =	vshll.u32 v18, $0x10;
	v9 =	vadd.f32 v21, v9;
	v19 =	vld [tilespmem:s23+$0x19B00]  }
0xbc: {  	v18 =	vand.u32 $0xFFFF0000, v18;
	v2 =	vadd.f32 v17, v2;
	v10 =	vadd.f32 v22, v10;
	v17 =	vld [tilespmem:s23+$0x19B10]  }
0xbd: {  	v5 =	vadd.f32 v18, v5;
	v18 =	vld [tilespmem:s23+$0x19B20];
	v16 =	vand.u32 $0xFFFF0000, v25;
	v21 =	vshll.u32 v26, $0x10  }
0xbe: {  	v22 =	vand.u32 $0xFFFF0000, v26;
	v23 =	vand.u32 $0xFFFF0000, v27;
	v26 =	vld [tilespmem:s23+$0x19B40];
	v62 =	vshll.u32 v30, $0x10  }
0xbf: {  	v15 =	vadd.f32 v16, v15;
	v16 =	vld [tilespmem:s23+$0x19B30];
	v6 =	vadd.f32 v21, v6;
	v21 =	vshll.u32 v27, $0x10  }
0xc0: {  	v60 =	vld [tilespmem:s23+$0x19B50];
	v13 =	vadd.f32 v22, v13;
	v22 =	vshll.u32 v28, $0x10;
	v27 =	vand.u32 $0xFFFF0000, v28  }
0xc1: {  	v61 =	vld [tilespmem:s23+$0x19B60];
	v7 =	vadd.f32 v23, v7;
	v23 =	vand.u32 $0xFFFF0000, v29;
	v8 =	vadd.f32 v62, v8  }
0xc2: {  	v14 =	vadd.f32 v21, v14;
	v21 =	vshll.u32 v29, $0x10;
	v3 =	vadd.f32 v22, v3;
	v33 =	vld.idx.msk [tilespmem:v20+s2+$0x0], $0xffff  }
0xc3: {  	v4 =	vadd.f32 v27, v4;
	v27 =	vshll.u32 v24, $0x10;
	v0 =	vadd.f32 v23, v0;
	v63 =	vld.idx.msk [tilespmem:v19+s2+$0x0], $0xffff  }
0xc4: {  	v12 =	vadd.f32 v21, v12;
	v9 =	vadd.f32 v27, v9;
	v22 =	vld.idx.msk [tilespmem:v17+s2+$0x0], $0xffff  }
0xc5: {  	v20 =	vand.u32 $0xFFFF0000, v30;
	v19 =	vand.u32 $0xFFFF0000, v24;
	v17 =	vshll.u32 v59, $0x10;
	v21 =	vld.idx.msk [tilespmem:v18+s2+$0x0], $0xffff  }
0xc6: {  	v18 =	vand.u32 $0xFFFF0000, v59;
	v1 =	vadd.f32 v20, v1;
	v2 =	vadd.f32 v19, v2;
	v19 =	vld.idx.msk [tilespmem:v26+s2+$0x0], $0xffff  }
0xc7: {  	v10 =	vadd.f32 v17, v10;
	v5 =	vadd.f32 v18, v5;
	v20 =	vld.idx.msk [tilespmem:v16+s2+$0x0], $0xffff;
	v16 =	vshll.u32 v25, $0x10  }
0xc8: {  	v17 =	vld.idx.msk [tilespmem:v60+s2+$0x0], $0xffff;
	v11 =	vadd.f32 v16, v11;
	v16 =	vshll.u32 v33, $0x10;
	v25 =	vand.u32 $0xFFFF0000, v33  }
0xc9: {  	s24 =	simm.s32 $0x80;
	s23 =	simm.s32 $0x400;
	v18 =	vld.idx.msk [tilespmem:v61+s2+$0x0], $0xffff;
	v24 =	vshll.u32 v63, $0x10;
	v23 =	vand.u32 $0xFFFF0000, v63;
	v15 =	vadd.f32 v25, v15  }
.LBB2_8:
0xca: {  	p1 =	sne.s32 s23, $0x4E00;
	v25 =	vld [tilespmem:s24+$0x19B70];
	v6 =	vadd.f32 v24, v6;
	v24 =	vshll.u32 v22, $0x10;
	v22 =	vand.u32 $0xFFFF0000, v22  }
0xcb: {  	v13 =	vadd.f32 v23, v13;
	v23 =	vshll.u32 v21, $0x10;
	v21 =	vand.u32 $0xFFFF0000, v21;
	v26 =	vld [tilespmem:s24+$0x19B00]  }
0xcc: {  	v14 =	vadd.f32 v24, v14;
	v24 =	vshll.u32 v20, $0x10;
	v20 =	vand.u32 $0xFFFF0000, v20;
	v27 =	vld [tilespmem:s24+$0x19B10]  }
0xcd: {  	v7 =	vadd.f32 v22, v7;
	v22 =	vshll.u32 v19, $0x10;
	v19 =	vand.u32 $0xFFFF0000, v19;
	v28 =	vld [tilespmem:s24+$0x19B20]  }
0xce: {  	v3 =	vadd.f32 v23, v3;
	v23 =	vshll.u32 v17, $0x10;
	v17 =	vand.u32 $0xFFFF0000, v17;
	v29 =	vld [tilespmem:s24+$0x19B30]  }
0xcf: {  	v4 =	vadd.f32 v21, v4;
	v21 =	vshll.u32 v18, $0x10;
	v18 =	vand.u32 $0xFFFF0000, v18;
	v30 =	vld [tilespmem:s24+$0x19B40]  }
0xd0: {  	v12 =	vadd.f32 v24, v12;
	v0 =	vadd.f32 v20, v0;
	v31 =	vld [tilespmem:s24+$0x19B50]  }
0xd1: {  	v8 =	vadd.f32 v22, v8;
	v1 =	vadd.f32 v19, v1;
	v32 =	vld [tilespmem:s24+$0x19B60]  }
0xd2: {  	v9 =	vadd.f32 v23, v9;
	v2 =	vadd.f32 v17, v2;
	v24 =	vld.idx.msk [tilespmem:v25+s2+$0x0], $0xffff  }
0xd3: {  	v10 =	vadd.f32 v21, v10;
	v5 =	vadd.f32 v18, v5;
	v23 =	vld.idx.msk [tilespmem:v26+s2+$0x0], $0xffff  }
0xd4: {  	v11 =	vadd.f32 v16, v11;
	v22 =	vld.idx.msk [tilespmem:v27+s2+$0x0], $0xffff  }
.Ltmp3:
0xd5: {  	v21 =	vld.idx.msk [tilespmem:v28+s2+$0x0], $0xffff;
	(pc) =	sbr.rel @p1 .LBB2_8-.Ltmp3, $4  }
0xd6: {  	v20 =	vld.idx.msk [tilespmem:v29+s2+$0x0], $0xffff  }
0xd7: {  	v19 =	vld.idx.msk [tilespmem:v30+s2+$0x0], $0xffff  }
0xd8: {  	v16 =	vshll.u32 v24, $0x10;
	v25 =	vand.u32 $0xFFFF0000, v24;
	v17 =	vld.idx.msk [tilespmem:v31+s2+$0x0], $0xffff  }
0xd9: {  	s24 =	sshra.s32 s23, $0x2;
	s23 =	sadd.s32 $0x200, s23;
	v24 =	vshll.u32 v23, $0x10;
	v23 =	vand.u32 $0xFFFF0000, v23;
	v15 =	vadd.f32 v25, v15;
	v18 =	vld.idx.msk [tilespmem:v32+s2+$0x0], $0xffff  }
0xda: {  	v25 =	vld [tilespmem:s24+$0x19B70]  }
0xdb: {  	v26 =	vld [tilespmem:s24+$0x19B00]  }
0xdc: {  	v27 =	vld [tilespmem:s24+$0x19B10]  }
0xdd: {  	v28 =	vld [tilespmem:s24+$0x19B20]  }
0xde: {  	v29 =	vld [tilespmem:s24+$0x19B30]  }
0xdf: {  	v30 =	vld [tilespmem:s24+$0x19B40]  }
0xe0: {  	v31 =	vld [tilespmem:s24+$0x19B50]  }
0xe1: {  	v32 =	vld [tilespmem:s24+$0x19B60]  }
0xe2: {  	v25 =	vld.idx.msk [tilespmem:v25+s2+$0x0], $0xffff  }
0xe3: {  	v26 =	vld.idx.msk [tilespmem:v26+s2+$0x0], $0xffff  }
0xe4: {  	v27 =	vld.idx.msk [tilespmem:v27+s2+$0x0], $0xffff  }
0xe5: {  	v28 =	vld.idx.msk [tilespmem:v28+s2+$0x0], $0xffff  }
0xe6: {  	v6 =	vadd.f32 v24, v6;
	v29 =	vld.idx.msk [tilespmem:v29+s2+$0x0], $0xffff  }
0xe7: {  	v13 =	vadd.f32 v23, v13;
	v23 =	vshll.u32 v22, $0x10;
	v22 =	vand.u32 $0xFFFF0000, v22;
	v24 =	vld.idx.msk [tilespmem:v30+s2+$0x0], $0xffff  }
0xe8: {  	v61 =	vadd.f32 v16, v11;
	v14 =	vadd.f32 v23, v14;
	v23 =	vshll.u32 v21, $0x10;
	v59 =	vld.idx.msk [tilespmem:v31+s2+$0x0], $0xffff  }
0xe9: {  	v21 =	vand.u32 $0xFFFF0000, v21;
	v7 =	vadd.f32 v22, v7;
	v22 =	vshll.u32 v20, $0x10;
	v60 =	vld.idx.msk [tilespmem:v32+s2+$0x0], $0xffff;
	_ =	swait.ge [sflag:s18], $0x1400  }
0xea: {  	v20 =	vand.u32 $0xFFFF0000, v20;
	v3 =	vadd.f32 v23, v3;
	v23 =	vshll.u32 v19, $0x10;
	[sflag:s18] =	ssyncset.done $0x0  }
0xeb: {  	s23 =	simm.s32 $0x0;
	v19 =	vand.u32 $0xFFFF0000, v19;
	v4 =	vadd.f32 v21, v4;
	v22 =	vadd.f32 v22, v12;
	[sflag:s18] =	ssyncadd.s32 $0xFFFFEC00  }
0xec: {  	v0 =	vadd.f32 v20, v0;
	v21 =	vshll.u32 v17, $0x10;
	v12 =	vand.u32 $0xFFFF0000, v17;
	v17 =	vld [tilespmem:s23+$0x18770]  }
0xed: {  	v1 =	vadd.f32 v19, v1;
	v20 =	vshll.u32 v18, $0x10;
	v19 =	vadd.f32 v21, v9;
	v9 =	vld [tilespmem:s23+$0x18700]  }
0xee: {  	v8 =	vadd.f32 v23, v8;
	v18 =	vand.u32 $0xFFFF0000, v18;
	v23 =	vadd.f32 v20, v10;
	v20 =	vld [tilespmem:s23+$0x18710]  }
0xef: {  	v2 =	vadd.f32 v12, v2;
	v18 =	vadd.f32 v18, v5;
	v21 =	vld [tilespmem:s23+$0x18720];
	v5 =	vand.u32 $0xFFFF0000, v25  }
0xf0: {  	v33 =	vld [tilespmem:s23+$0x18730];
	v10 =	vshll.u32 v26, $0x10;
	v12 =	vand.u32 $0xFFFF0000, v26;
	v26 =	vadd.f32 v5, v15  }
0xf1: {  	v62 =	vld [tilespmem:s23+$0x18750];
	v11 =	vadd.f32 v10, v6;
	v5 =	vshll.u32 v27, $0x10;
	v6 =	vand.u32 $0xFFFF0000, v27  }
0xf2: {  	v27 =	vld [tilespmem:s23+$0x18740];
	v15 =	vadd.f32 v12, v13;
	v10 =	vshll.u32 v28, $0x10;
	v13 =	vand.u32 $0xFFFF0000, v28  }
0xf3: {  	v34 =	vld [tilespmem:s23+$0x18760];
	v16 =	vadd.f32 v5, v14;
	v5 =	vshll.u32 v29, $0x10;
	v14 =	vadd.f32 v6, v7  }
0xf4: {  	v6 =	vand.u32 $0xFFFF0000, v29;
	v12 =	vadd.f32 v10, v3;
	v3 =	vshll.u32 v24, $0x10;
	v63 =	vld.idx.msk [tilespmem:v17+s2+$0x0], $0xffff  }
0xf5: {  	v13 =	vadd.f32 v13, v4;
	v4 =	vshll.u32 v59, $0x10;
	v10 =	vadd.f32 v5, v22;
	v35 =	vld.idx.msk [tilespmem:v9+s2+$0x0], $0xffff  }
0xf6: {  	v7 =	vand.u32 $0xFFFF0000, v24;
	v8 =	vadd.f32 v3, v8;
	v5 =	vadd.f32 v4, v19;
	v22 =	vld.idx.msk [tilespmem:v20+s2+$0x0], $0xffff  }
0xf7: {  	v17 =	vand.u32 $0xFFFF0000, v59;
	v9 =	vadd.f32 v6, v0;
	v0 =	vshll.u32 v60, $0x10;
	v21 =	vld.idx.msk [tilespmem:v21+s2+$0x0], $0xffff  }
0xf8: {  	v6 =	vadd.f32 v7, v1;
	v1 =	vand.u32 $0xFFFF0000, v60;
	v20 =	vld.idx.msk [tilespmem:v33+s2+$0x0], $0xffff;
	v4 =	vadd.f32 v17, v2  }
0xf9: {  	v7 =	vshll.u32 v25, $0x10;
	v3 =	vadd.f32 v0, v23;
	v2 =	vadd.f32 v1, v18;
	v17 =	vld.idx.msk [tilespmem:v62+s2+$0x0], $0xffff  }
0xfa: {  	v1 =	vadd.f32 v7, v61;
	v19 =	vld.idx.msk [tilespmem:v27+s2+$0x0], $0xffff;
	v7 =	vshll.u32 v63, $0x10;
	v0 =	vand.u32 $0xFFFF0000, v63  }
0xfb: {  	s24 =	simm.s32 $0x80;
	s23 =	simm.s32 $0x400;
	v18 =	vld.idx.msk [tilespmem:v34+s2+$0x0], $0xffff;
	v24 =	vshll.u32 v35, $0x10;
	v23 =	vand.u32 $0xFFFF0000, v35;
	v0 =	vadd.f32 v0, v26  }
.LBB2_10:
0xfc: {  	p1 =	sne.s32 s23, $0x4E00;
	v25 =	vld [tilespmem:s24+$0x18770];
	v11 =	vadd.f32 v24, v11;
	v24 =	vshll.u32 v22, $0x10;
	v22 =	vand.u32 $0xFFFF0000, v22  }
0xfd: {  	v15 =	vadd.f32 v23, v15;
	v23 =	vshll.u32 v21, $0x10;
	v21 =	vand.u32 $0xFFFF0000, v21;
	v26 =	vld [tilespmem:s24+$0x18700]  }
0xfe: {  	v16 =	vadd.f32 v24, v16;
	v24 =	vshll.u32 v20, $0x10;
	v20 =	vand.u32 $0xFFFF0000, v20;
	v27 =	vld [tilespmem:s24+$0x18710]  }
0xff: {  	v14 =	vadd.f32 v22, v14;
	v22 =	vshll.u32 v19, $0x10;
	v19 =	vand.u32 $0xFFFF0000, v19;
	v28 =	vld [tilespmem:s24+$0x18720]  }
0x100: {  	v12 =	vadd.f32 v23, v12;
	v23 =	vshll.u32 v17, $0x10;
	v17 =	vand.u32 $0xFFFF0000, v17;
	v29 =	vld [tilespmem:s24+$0x18730]  }
0x101: {  	v13 =	vadd.f32 v21, v13;
	v21 =	vshll.u32 v18, $0x10;
	v18 =	vand.u32 $0xFFFF0000, v18;
	v30 =	vld [tilespmem:s24+$0x18740]  }
0x102: {  	v10 =	vadd.f32 v24, v10;
	v9 =	vadd.f32 v20, v9;
	v31 =	vld [tilespmem:s24+$0x18750]  }
0x103: {  	v8 =	vadd.f32 v22, v8;
	v6 =	vadd.f32 v19, v6;
	v32 =	vld [tilespmem:s24+$0x18760]  }
0x104: {  	v5 =	vadd.f32 v23, v5;
	v4 =	vadd.f32 v17, v4;
	v24 =	vld.idx.msk [tilespmem:v25+s2+$0x0], $0xffff  }
0x105: {  	v3 =	vadd.f32 v21, v3;
	v2 =	vadd.f32 v18, v2;
	v23 =	vld.idx.msk [tilespmem:v26+s2+$0x0], $0xffff  }
0x106: {  	v1 =	vadd.f32 v7, v1;
	v22 =	vld.idx.msk [tilespmem:v27+s2+$0x0], $0xffff  }
.Ltmp4:
0x107: {  	v21 =	vld.idx.msk [tilespmem:v28+s2+$0x0], $0xffff;
	(pc) =	sbr.rel @p1 .LBB2_10-.Ltmp4, $4  }
0x108: {  	v20 =	vld.idx.msk [tilespmem:v29+s2+$0x0], $0xffff  }
0x109: {  	v19 =	vld.idx.msk [tilespmem:v30+s2+$0x0], $0xffff  }
0x10a: {  	v7 =	vshll.u32 v24, $0x10;
	v25 =	vand.u32 $0xFFFF0000, v24;
	v17 =	vld.idx.msk [tilespmem:v31+s2+$0x0], $0xffff  }
0x10b: {  	s24 =	sshra.s32 s23, $0x2;
	s23 =	sadd.s32 $0x200, s23;
	v24 =	vshll.u32 v23, $0x10;
	v23 =	vand.u32 $0xFFFF0000, v23;
	v0 =	vadd.f32 v25, v0;
	v18 =	vld.idx.msk [tilespmem:v32+s2+$0x0], $0xffff  }
0x10c: {  	v25 =	vld [tilespmem:s24+$0x18700]  }
0x10d: {  	v26 =	vld [tilespmem:s24+$0x18770]  }
0x10e: {  	v27 =	vld [tilespmem:s24+$0x18710]  }
0x10f: {  	v28 =	vld [tilespmem:s24+$0x18720]  }
0x110: {  	v29 =	vld [tilespmem:s24+$0x18730]  }
0x111: {  	v30 =	vld [tilespmem:s24+$0x18740]  }
0x112: {  	v31 =	vld [tilespmem:s24+$0x18750]  }
0x113: {  	v32 =	vld [tilespmem:s24+$0x18760]  }
0x114: {  	v25 =	vld.idx.msk [tilespmem:v25+s2+$0x0], $0xffff  }
0x115: {  	v11 =	vadd.f32 v24, v11;
	v15 =	vadd.f32 v23, v15;
	v62 =	vshll.u32 v22, $0x10  }
0x116: {  	v33 =	vand.u32 $0xFFFF0000, v22;
	v34 =	vshll.u32 v21, $0x10;
	v36 =	vand.u32 $0xFFFF0000, v21;
	v35 =	vld.idx.msk [tilespmem:v27+s2+$0x0], $0xffff  }
0x117: {  	v16 =	vadd.f32 v62, v16;
	v14 =	vadd.f32 v33, v14;
	v37 =	vshll.u32 v20, $0x10;
	v63 =	vld.idx.msk [tilespmem:v26+s2+$0x0], $0xffff  }
0x118: {  	v39 =	vand.u32 $0xFFFF0000, v20;
	v12 =	vadd.f32 v34, v12;
	v13 =	vadd.f32 v36, v13;
	v38 =	vld.idx.msk [tilespmem:v28+s2+$0x0], $0xffff  }
0x119: {  	v40 =	vshll.u32 v19, $0x10;
	v42 =	vand.u32 $0xFFFF0000, v19;
	v41 =	vld.idx.msk [tilespmem:v29+s2+$0x0], $0xffff;
	v44 =	vshll.u32 v25, $0x10  }
0x11a: {  	v10 =	vadd.f32 v37, v10;
	v43 =	vld.idx.msk [tilespmem:v30+s2+$0x0], $0xffff;
	v25 =	vand.u32 $0xFFFF0000, v25;
	v11 =	vadd.f32 v44, v11  }
0x11b: {  	v9 =	vadd.f32 v39, v9;
	v46 =	vld.idx.msk [tilespmem:v31+s2+$0x0], $0xffff;
	v49 =	vshll.u32 v35, $0x10;
	v15 =	vadd.f32 v25, v15  }
0x11c: {  	v45 =	vshll.u32 v17, $0x10;
	v48 =	vld.idx.msk [tilespmem:v32+s2+$0x0], $0xffff;
	v26 =	vand.u32 $0xFFFF0000, v35;
	v16 =	vadd.f32 v49, v16;
	[tilespmem:$0x1AF00] =	vst v11  }
0x11d: {  	v47 =	vand.u32 $0xFFFF0000, v17;
	v52 =	vshll.u32 v38, $0x10;
	v14 =	vadd.f32 v26, v14;
	[tilespmem:$0x1AF80] =	vst v15  }
0x11e: {  	v8 =	vadd.f32 v40, v8;
	v53 =	vand.u32 $0xFFFF0000, v38;
	v12 =	vadd.f32 v52, v12;
	[tilespmem:$0x1AF10] =	vst v16  }
0x11f: {  	v6 =	vadd.f32 v42, v6;
	v54 =	vshll.u32 v41, $0x10;
	v13 =	vadd.f32 v53, v13;
	[tilespmem:$0x1AF90] =	vst v14  }
0x120: {  	v50 =	vshll.u32 v18, $0x10;
	v55 =	vand.u32 $0xFFFF0000, v41;
	v10 =	vadd.f32 v54, v10;
	[tilespmem:$0x1AF20] =	vst v12  }
0x121: {  	v51 =	vand.u32 $0xFFFF0000, v18;
	v56 =	vshll.u32 v43, $0x10;
	v9 =	vadd.f32 v55, v9;
	[tilespmem:$0x1AFA0] =	vst v13  }
0x122: {  	v5 =	vadd.f32 v45, v5;
	v57 =	vand.u32 $0xFFFF0000, v43;
	v8 =	vadd.f32 v56, v8;
	[tilespmem:$0x1AF30] =	vst v10  }
0x123: {  	v4 =	vadd.f32 v47, v4;
	v58 =	vshll.u32 v46, $0x10;
	v6 =	vadd.f32 v57, v6;
	[tilespmem:$0x1AFB0] =	vst v9  }
0x124: {  	v3 =	vadd.f32 v50, v3;
	v59 =	vand.u32 $0xFFFF0000, v46;
	v5 =	vadd.f32 v58, v5;
	[tilespmem:$0x1AF40] =	vst v8  }
0x125: {  	v2 =	vadd.f32 v51, v2;
	v60 =	vshll.u32 v48, $0x10;
	v4 =	vadd.f32 v59, v4;
	[tilespmem:$0x1AFC0] =	vst v6  }
0x126: {  	v1 =	vadd.f32 v7, v1;
	v61 =	vand.u32 $0xFFFF0000, v48;
	v3 =	vadd.f32 v60, v3;
	[tilespmem:$0x1AF50] =	vst v5  }
0x127: {  	v62 =	vshll.u32 v63, $0x10;
	v2 =	vadd.f32 v61, v2;
	[tilespmem:$0x1AFD0] =	vst v4  }
0x128: {  	v63 =	vand.u32 $0xFFFF0000, v63;
	v1 =	vadd.f32 v62, v1;
	[tilespmem:$0x1AF60] =	vst v3  }
0x129: {  	v0 =	vadd.f32 v63, v0;
	[tilespmem:$0x1AFE0] =	vst v2  }
0x12a: {  	[tilespmem:$0x1AF70] =	vst v1  }
0x12b: {  	[tilespmem:$0x1AFF0] =	vst v0  }
0x12c: {  	[hbm4b:s9+s2] =	stream.linear.scatter [tilespmem:s20], [sflag:$0x2], $0x80, $0x38;
	[tilespmem:$0x1C870] =	vst v63  }
0x12d: {  	s22 =	sadd.s32 $0x1, s22  }
0x12e: {  	[hbm4b:s10+s2] =	stream.linear.scatter [tilespmem:s21], [sflag:$0x3], $0x80, $0x38;
	[tilespmem:$0x1C870] =	vst v63  }
0x12f: {  	p1 =	sne.s32 s22, s11;
	_ =	swait.ge [sflag:s18], $0x80  }
.Ltmp5:
0x130: {  	[sflag:s18] =	ssyncset.done $0x0;
	(pc) =	sbr.rel @p1 .LBB2_1-.Ltmp5, $4  }
0x131: {  	[sflag:s18] =	ssyncadd.s32 $0xFFFFFF80  }
0x132: {  	_ =	swait.ge [sflag:s19], $0x80  }
0x133: {  	[sflag:s19] =	ssyncset.done $0x0  }
0x134: {  	[sflag:s19] =	ssyncadd.s32 $0xFFFFFF80  }
0x135: {  	_ =	sfence.sel $0x180000  }
0x136: {  	[bflag:$0x0] =	sbarrier.arrive $0xFFFF  }
0x137: {  	_ =	strace $0x90000047  }
0x138: {  	s0 =	sadd.s32 @!p0 $0x100000, s0;
	[bflag:$0x2] =	sbarrier.arrive $0xFFFF  }
0x139: {  	[sflag:s0] =	ssyncadd.tile.s32 @!p0 $0x1;
	_ =	shalt  }
.Lfunc_end2:
_tile_overlayer_lowered:
.L_overlay_start_2:
0x13a: {  	(tag) =	ssettag $0x2  }
0x13b: {  	s0 =	rddreg [dreg:$0x0];
	s2 =	stileid.u32  }
0x13c: {  	s1 =	rddreg [dreg:$0x1];
	p0 =	sne.s32 s2, $0x0  }
0x13d: {  	s3 =	rddreg [dreg:$0x2];
	[bflag:$0x3] =	sbarrier.arrive $0xFFFF;
	s2 =	simm.s32 @!p0 $0x1C04  }
0x13e: {  	[timem:s3], [sflag:s2] =	dma.local @!p0 [hbm:s0], s1  }
0x13f: {  	s0 =	simm.s32 @!p0 $0x4  }
0x140: {  	_ =	swait.ge @!p0 [sflag:s0], s1  }
0x141: {  	s1 =	ssub.s32 @!p0 $0x0, s1;
	[sflag:s0] =	ssyncset.done @!p0 $0x0  }
0x142: {  	[sflag:s0] =	ssyncadd.s32 @!p0 s1  }
0x143: {  	[bflag:$0x3] =	sbarrier.arrive $0xFFFF  }
0x144: {  	_ =	shalt  }

</sc_bundles>
